<compile_context>
chip_gen: v7x
topology: tpu7x:2x2x1
jax: 0.10.2.dev20260603
libtpu: 0.0.44.dev20260713+nightly
codegen_flags: <defaults>
</compile_context>

<pallas_src>
import functools

import jax
import jax.numpy as jnp
from jax import lax
from jax.experimental import pallas as pl
from jax.experimental.pallas import tpu as pltpu, tpu_sc as plsc

_KNN = 16
_BIG = 3.0e38
_TW = 256
_CH = 256


def _setup_kernel(x_ref, pos_ref, wqkv_ref, w1_ref, q_ref, pw_ref, key_ref,
                  tbl_ref):
    f32 = jnp.float32
    dot_hi = functools.partial(jax.lax.dot_general, preferred_element_type=f32,
                               precision=jax.lax.Precision.HIGHEST)
    pos = pos_ref[0]
    x = x_ref[0]
    n, d = x.shape

    qkv = dot_hi(x, wqkv_ref[...], (((1,), (0,)), ((), ())))
    q_ref[0] = qkv[:, :d]
    pw = dot_hi(pos, w1_ref[...], (((1,), (0,)), ((), ())))
    pw_ref[0] = pw

    pad = jnp.zeros((n, _TW - 3 * d), f32)
    tbl_ref[0] = jnp.concatenate([qkv[:, d:], pw, pad], axis=1)

    ones = jnp.ones((n, 1), f32)
    outer = (((1,), (1,)), ((), ()))
    d2 = None
    for c in range(3):
        xc = pos[:, c:c + 1]
        rel_c = dot_hi(xc, ones, outer) - dot_hi(ones, xc, outer)
        sq = rel_c * rel_c
        d2 = sq if d2 is None else d2 + sq
    key_ref[0] = jnp.sqrt(d2)


def _select_kernel(key_in_ref, idx_ref, th_ref, li_ref):
    i = pl.program_id(0)
    t = pl.program_id(1)
    n = key_in_ref.shape[1]
    first = t == 0
    key = key_in_ref[0]

    th = jnp.where(first, -_BIG, th_ref[...])
    li = jnp.where(first, -1, li_ref[...])
    iota_j = lax.broadcasted_iota(jnp.int32, key.shape, 1)
    eligible = (key > th) | ((key == th) & (iota_j > li))
    keyx = jnp.where(eligible, key, _BIG)
    rmin = jnp.min(keyx, axis=1, keepdims=True)
    cand = jnp.where(keyx == rmin, iota_j, n)
    amin = jnp.min(cand, axis=1, keepdims=True)
    th_ref[...] = rmin
    li_ref[...] = amin
    idx_ref[0, 0] = amin + i * n


def _mlp_kernel(g_ref, q_ref, pw_ref, b1_ref, w2_ref, b2_ref, a1_ref,
                ab1_ref, a2_ref, ab2_ref, out_ref, m_ref, s_ref, acc_ref):
    t = pl.program_id(1)
    d = q_ref.shape[2]
    first = t == 0

    f32 = jnp.float32
    dot = functools.partial(jax.lax.dot_general, preferred_element_type=f32,
                            precision=jax.lax.Precision.HIGHEST)
    cdims = (((1,), (0,)), ((), ()))

    g = g_ref[0, 0]
    k_g = g[:, :d]
    v_g = g[:, d:2 * d]
    pw_g = g[:, 2 * d:3 * d]

    h = jax.nn.relu(pw_ref[0] - pw_g + b1_ref[...])
    pe = dot(h, w2_ref[...], cdims) + b2_ref[...]

    s_in = q_ref[0] - k_g + pe
    h2 = jax.nn.relu(dot(s_in, a1_ref[...], cdims) + ab1_ref[...])
    sim = dot(h2, a2_ref[...], cdims) + ab2_ref[...]
    v2 = v_g + pe

    m = jnp.where(first, -_BIG, m_ref[...])
    s = jnp.where(first, 0.0, s_ref[...])
    acc = jnp.where(first, 0.0, acc_ref[...])
    m_new = jnp.maximum(m, sim)
    c = jnp.exp(m - m_new)
    p = jnp.exp(sim - m_new)
    s_new = s * c + p
    acc_new = acc * c + p * v2
    m_ref[...] = m_new
    s_ref[...] = s_new
    acc_ref[...] = acc_new

    out_ref[0] = acc_new / s_new


def _make_sc_gather(width, total):
    info = plsc.get_sparse_core_info()
    nc = info.num_cores
    nw = nc * info.num_subcores
    b_per_w = total // nw
    mesh = plsc.VectorSubcoreMesh(core_axis_name="c", subcore_axis_name="s")

    @functools.partial(
        pl.kernel, mesh=mesh,
        out_type=jax.ShapeDtypeStruct((total, width), jnp.float32),
        scratch_types=[
            pltpu.VMEM((_CH,), jnp.int32),
            pltpu.VMEM((_CH, width), jnp.float32),
            pltpu.SemaphoreType.DMA,
        ],
    )
    def sc_gather(table_hbm, idx_hbm, out_hbm, idx_v, rows_v, sem):
        wid = lax.axis_index("s") * nc + lax.axis_index("c")
        for g in range(b_per_w // _CH):
            base = wid * b_per_w + g * _CH
            pltpu.sync_copy(idx_hbm.at[pl.ds(base, _CH)], idx_v)
            pltpu.async_copy(table_hbm.at[idx_v], rows_v, sem).wait()
            pltpu.sync_copy(rows_v, out_hbm.at[pl.ds(base, _CH)])

    return sc_gather


def kernel(x, pos, Wqkv, W1, b1, W2, b2, A1, ab1, A2, ab2):
    b, n, d = x.shape

    q, pw, key, tbl = pl.pallas_call(
        _setup_kernel,
        grid=(b,),
        in_specs=[
            pl.BlockSpec((1, n, d), lambda i: (i, 0, 0)),
            pl.BlockSpec((1, n, 3), lambda i: (i, 0, 0)),
            pl.BlockSpec(Wqkv.shape, lambda i: (0, 0)),
            pl.BlockSpec(W1.shape, lambda i: (0, 0)),
        ],
        out_specs=[
            pl.BlockSpec((1, n, d), lambda i: (i, 0, 0)),
            pl.BlockSpec((1, n, d), lambda i: (i, 0, 0)),
            pl.BlockSpec((1, n, n), lambda i: (i, 0, 0)),
            pl.BlockSpec((1, n, _TW), lambda i: (i, 0, 0)),
        ],
        out_shape=[
            jax.ShapeDtypeStruct((b, n, d), jnp.float32),
            jax.ShapeDtypeStruct((b, n, d), jnp.float32),
            jax.ShapeDtypeStruct((b, n, n), jnp.float32),
            jax.ShapeDtypeStruct((b, n, _TW), jnp.float32),
        ],
    )(x, pos, Wqkv, W1)

    idx = pl.pallas_call(
        _select_kernel,
        grid=(b, _KNN),
        in_specs=[pl.BlockSpec((1, n, n), lambda i, t: (i, 0, 0))],
        out_specs=pl.BlockSpec((1, 1, n, 1), lambda i, t: (i, t, 0, 0)),
        out_shape=jax.ShapeDtypeStruct((b, _KNN, n, 1), jnp.int32),
        scratch_shapes=[
            pltpu.VMEM((n, 1), jnp.float32),
            pltpu.VMEM((n, 1), jnp.int32),
        ],
        compiler_params=pltpu.CompilerParams(
            dimension_semantics=("arbitrary", "arbitrary"),
        ),
    )(key)

    total = b * _KNN * n
    gathered = _make_sc_gather(_TW, total)(
        tbl.reshape(b * n, _TW), idx.reshape(total))
    g4 = gathered.reshape(b, _KNN, n, _TW)

    full = lambda a: pl.BlockSpec(a.shape, lambda i, t: (0,) * a.ndim)
    row = lambda a: pl.BlockSpec((1, a.shape[0]), lambda i, t: (0, 0))
    bat = lambda w: pl.BlockSpec((1, n, w), lambda i, t: (i, 0, 0))
    return pl.pallas_call(
        _mlp_kernel,
        grid=(b, _KNN),
        in_specs=[
            pl.BlockSpec((1, 1, n, _TW), lambda i, t: (i, t, 0, 0)),
            bat(d), bat(d),
            row(b1), full(W2), row(b2),
            full(A1), row(ab1), full(A2), row(ab2),
        ],
        out_specs=pl.BlockSpec((1, n, d), lambda i, t: (i, 0, 0)),
        out_shape=jax.ShapeDtypeStruct((b, n, d), jnp.float32),
        scratch_shapes=[
            pltpu.VMEM((n, d), jnp.float32),
            pltpu.VMEM((n, d), jnp.float32),
            pltpu.VMEM((n, d), jnp.float32),
        ],
        compiler_params=pltpu.CompilerParams(
            dimension_semantics=("arbitrary", "arbitrary"),
        ),
    )(g4, q, pw, b1.reshape(1, -1), W2, b2.reshape(1, -1),
      A1, ab1.reshape(1, -1), A2, ab2.reshape(1, -1))

# --- scband reference (transcript-rebuilt; emitter-appended) ---
"""Pipeline reference for scband-point-transformer-layer-47382079209947 (READ-ONLY COPY).

The authoritative reference and input builder live on the scoring server;
editing this copy changes nothing except your own understanding.
"""

import jax, jax.numpy as jnp
import numpy as np

B, N, DIM = 2, 512, 64
POS_HID = 64
MULT = 4
KNN = 16


def setup_inputs(seed: int = 0) -> dict:
    key = jax.random.key(seed)
    ks = jax.random.split(key, 12)
    s = lambda fan: 1.0 / np.sqrt(fan)
    x = jax.random.normal(ks[0], (B, N, DIM), dtype=jnp.float32)
    pos = jax.random.normal(ks[1], (B, N, 3), dtype=jnp.float32)
    Wqkv = jax.random.normal(ks[2], (DIM, 3 * DIM), dtype=jnp.float32) * s(DIM)
    W1 = jax.random.normal(ks[3], (3, POS_HID), dtype=jnp.float32) * s(3)
    b1 = jnp.zeros((POS_HID,), dtype=jnp.float32)
    W2 = jax.random.normal(ks[4], (POS_HID, DIM), dtype=jnp.float32) * s(POS_HID)
    b2 = jnp.zeros((DIM,), dtype=jnp.float32)
    A1 = jax.random.normal(ks[5], (DIM, DIM * MULT), dtype=jnp.float32) * s(DIM)
    ab1 = jnp.zeros((DIM * MULT,), dtype=jnp.float32)
    A2 = jax.random.normal(ks[6], (DIM * MULT, DIM), dtype=jnp.float32) * s(DIM * MULT)
    ab2 = jnp.zeros((DIM,), dtype=jnp.float32)
    return {"x": x, "pos": pos, "Wqkv": Wqkv, "W1": W1, "b1": b1, "W2": W2, "b2": b2, "A1": A1, "ab1": ab1, "A2": A2, "ab2": ab2}


def reference(x, pos, Wqkv, W1, b1, W2, b2, A1, ab1, A2, ab2):
    b, n, d = x.shape
    qkv = x @ Wqkv
    q, k_, v = jnp.split(qkv, 3, axis=-1)
    # relative positions [b, n, n, 3]
    rel_pos = pos[:, :, None, :] - pos[:, None, :, :]
    h = jax.nn.relu(rel_pos @ W1 + b1)
    rel_pos_emb = h @ W2 + b2  # [b, n, n, d]
    qk_rel = q[:, :, None, :] - k_[:, None, :, :]  # [b, n, n, d]
    # kNN selection on relative distance (smallest distances)
    rel_dist = jnp.linalg.norm(rel_pos, axis=-1)  # [b, n, n]
    _, idx = jax.lax.top_k(-rel_dist, KNN)  # [b, n, KNN]
    idx_e = jnp.broadcast_to(idx[..., None], (b, n, KNN, d))
    v_b = jnp.broadcast_to(v[:, None, :, :], (b, n, n, d))
    v_g = jnp.take_along_axis(v_b, idx_e, axis=2)
    qk_g = jnp.take_along_axis(qk_rel, idx_e, axis=2)
    pe_g = jnp.take_along_axis(rel_pos_emb, idx_e, axis=2)
    v2 = v_g + pe_g
    sim = jax.nn.relu((qk_g + pe_g) @ A1 + ab1) @ A2 + ab2  # [b, n, KNN, d]
    attn = jax.nn.softmax(sim, axis=-2)
    agg = jnp.sum(attn * v2, axis=2)  # [b, n, d]
    return agg

if __name__ == "__main__":
    import jax
    _d = setup_inputs()
    print(jax.jit(kernel)(*tuple(_d.values())))

</pallas_src>

<mosaic_0001>
#map = affine_map<(d0, d1) -> (0, 0)>
#map1 = affine_map<(d0, d1) -> (0)>
module attributes {stable_mosaic.version = 14 : i64} {
  func.func @sc_gather(%arg0: i32, %arg1: i32, %arg2: memref<1024x256xf32, #tpu.memory_space<hbm>>, %arg3: memref<16384xi32, #tpu.memory_space<hbm>>, %arg4: memref<16384x256xf32, #tpu.memory_space<hbm>>, %arg5: memref<256xi32, #tpu.memory_space<vmem>>, %arg6: memref<256x256xf32, #tpu.memory_space<vmem>>, %arg7: memref<!tpu.dma_semaphore, #tpu.memory_space<semaphore_mem>>) attributes {dimension_semantics = [#tpu.dimension_semantics<core_parallel>, #tpu.dimension_semantics<subcore_parallel>], iteration_bounds = array<i64: 2, 16>, scalar_prefetch = 0 : i64, scratch_operands = 3 : i64, tpu.core_type = #tpu.core_type<sc_vector_subcore>, window_params = [{transform_indices = #map}, {transform_indices = #map1}, {transform_indices = #map}]} {
    %mul3A = arith.constant 2 : i32
    %mul3A_0 = arith.muli %arg1, %mul3A : i32
    %add3A = arith.addi %mul3A_0, %arg0 : i32
    %mul3A_1 = arith.constant 512 : i32
    %mul3A_2 = arith.muli %add3A, %mul3A_1 : i32
    %add3A_3 = arith.constant 0 : i32
    %add3A_4 = arith.addi %mul3A_2, %add3A_3 : i32
    "tpu.region"() ({
      %run_scoped3A = tpu.sem_alloc : memref<!tpu.dma_semaphore, #tpu.memory_space<semaphore_mem>>
      %dma_start3A_19 = tpu.memref_slice %arg3[%add3A_4] : memref<16384xi32, #tpu.memory_space<hbm>> -> memref<256xi32, #tpu.memory_space<hbm>>
      %dma_start3A_20 = tpu.memref_slice %arg3[%add3A_4] : memref<16384xi32, #tpu.memory_space<hbm>> -> memref<256xi32, #tpu.memory_space<hbm>>
      tpu.enqueue_dma source(%dma_start3A_20 : memref<256xi32, #tpu.memory_space<hbm>>) target(%arg5 : memref<256xi32, #tpu.memory_space<vmem>>) target_semaphore(%run_scoped3A : memref<!tpu.dma_semaphore, #tpu.memory_space<semaphore_mem>>)
      %dma_wait3A_21 = tpu.memref_slice %arg3[%add3A_4] : memref<16384xi32, #tpu.memory_space<hbm>> -> memref<256xi32, #tpu.memory_space<hbm>>
      %dma_wait3A_22 = tpu.memref_slice %arg3[%add3A_4] : memref<16384xi32, #tpu.memory_space<hbm>> -> memref<256xi32, #tpu.memory_space<hbm>>
      tpu.wait_dma2 semaphore(%run_scoped3A : memref<!tpu.dma_semaphore, #tpu.memory_space<semaphore_mem>>) src(%dma_wait3A_22 : memref<256xi32, #tpu.memory_space<hbm>>) dst(%arg5 : memref<256xi32, #tpu.memory_space<vmem>>)
      tpu.yield
    }) : () -> ()
    %dma_start3A = arith.constant 0 : i32
    %dma_start3A_5 = arith.constant 0 : i32
    %dma_start3A_6 = tpu.memref_slice %arg2[%dma_start3A, %dma_start3A_5] : memref<1024x256xf32, #tpu.memory_space<hbm>> -> memref<1024x256xf32, #tpu.memory_space<hbm>>
    tpu.enqueue_indirect_dma source(%dma_start3A_6 : memref<1024x256xf32, #tpu.memory_space<hbm>>) target(%arg6 : memref<256x256xf32, #tpu.memory_space<vmem>>) offsets(%arg5 : memref<256xi32, #tpu.memory_space<vmem>>) semaphore(%arg7 : memref<!tpu.dma_semaphore, #tpu.memory_space<semaphore_mem>>)
    %dma_wait3A = arith.constant 0 : i32
    %dma_wait3A_7 = arith.constant 0 : i32
    %dma_wait3A_8 = tpu.memref_slice %arg2[%dma_wait3A, %dma_wait3A_7] : memref<1024x256xf32, #tpu.memory_space<hbm>> -> memref<1024x256xf32, #tpu.memory_space<hbm>>
    tpu.wait_indirect_dma semaphore(%arg7 : memref<!tpu.dma_semaphore, #tpu.memory_space<semaphore_mem>>) src(%dma_wait3A_8 : memref<1024x256xf32, #tpu.memory_space<hbm>>) dst(%arg6 : memref<256x256xf32, #tpu.memory_space<vmem>>)
    "tpu.region"() ({
      %run_scoped3A = tpu.sem_alloc : memref<!tpu.dma_semaphore, #tpu.memory_space<semaphore_mem>>
      %dma_start3A_19 = arith.constant 0 : i32
      %dma_start3A_20 = tpu.memref_slice %arg4[%add3A_4, %dma_start3A_19] : memref<16384x256xf32, #tpu.memory_space<hbm>> -> memref<256x256xf32, #tpu.memory_space<hbm>>
      %dma_start3A_21 = arith.constant 0 : i32
      %dma_start3A_22 = tpu.memref_slice %arg4[%add3A_4, %dma_start3A_21] : memref<16384x256xf32, #tpu.memory_space<hbm>> -> memref<256x256xf32, #tpu.memory_space<hbm>>
      tpu.enqueue_dma source(%arg6 : memref<256x256xf32, #tpu.memory_space<vmem>>) target(%dma_start3A_22 : memref<256x256xf32, #tpu.memory_space<hbm>>) target_semaphore(%run_scoped3A : memref<!tpu.dma_semaphore, #tpu.memory_space<semaphore_mem>>)
      %dma_wait3A_23 = arith.constant 0 : i32
      %dma_wait3A_24 = tpu.memref_slice %arg4[%add3A_4, %dma_wait3A_23] : memref<16384x256xf32, #tpu.memory_space<hbm>> -> memref<256x256xf32, #tpu.memory_space<hbm>>
      %dma_wait3A_25 = arith.constant 0 : i32
      %dma_wait3A_26 = tpu.memref_slice %arg4[%add3A_4, %dma_wait3A_25] : memref<16384x256xf32, #tpu.memory_space<hbm>> -> memref<256x256xf32, #tpu.memory_space<hbm>>
      tpu.wait_dma2 semaphore(%run_scoped3A : memref<!tpu.dma_semaphore, #tpu.memory_space<semaphore_mem>>) src(%arg6 : memref<256x256xf32, #tpu.memory_space<vmem>>) dst(%dma_wait3A_26 : memref<256x256xf32, #tpu.memory_space<hbm>>)
      tpu.yield
    }) : () -> ()
    %mul3A_9 = arith.constant 512 : i32
    %mul3A_10 = arith.muli %add3A, %mul3A_9 : i32
    %add3A_11 = arith.constant 256 : i32
    %add3A_12 = arith.addi %mul3A_10, %add3A_11 : i32
    "tpu.region"() ({
      %run_scoped3A = tpu.sem_alloc : memref<!tpu.dma_semaphore, #tpu.memory_space<semaphore_mem>>
      %dma_start3A_19 = tpu.memref_slice %arg3[%add3A_12] : memref<16384xi32, #tpu.memory_space<hbm>> -> memref<256xi32, #tpu.memory_space<hbm>>
      %dma_start3A_20 = tpu.memref_slice %arg3[%add3A_12] : memref<16384xi32, #tpu.memory_space<hbm>> -> memref<256xi32, #tpu.memory_space<hbm>>
      tpu.enqueue_dma source(%dma_start3A_20 : memref<256xi32, #tpu.memory_space<hbm>>) target(%arg5 : memref<256xi32, #tpu.memory_space<vmem>>) target_semaphore(%run_scoped3A : memref<!tpu.dma_semaphore, #tpu.memory_space<semaphore_mem>>)
      %dma_wait3A_21 = tpu.memref_slice %arg3[%add3A_12] : memref<16384xi32, #tpu.memory_space<hbm>> -> memref<256xi32, #tpu.memory_space<hbm>>
      %dma_wait3A_22 = tpu.memref_slice %arg3[%add3A_12] : memref<16384xi32, #tpu.memory_space<hbm>> -> memref<256xi32, #tpu.memory_space<hbm>>
      tpu.wait_dma2 semaphore(%run_scoped3A : memref<!tpu.dma_semaphore, #tpu.memory_space<semaphore_mem>>) src(%dma_wait3A_22 : memref<256xi32, #tpu.memory_space<hbm>>) dst(%arg5 : memref<256xi32, #tpu.memory_space<vmem>>)
      tpu.yield
    }) : () -> ()
    %dma_start3A_13 = arith.constant 0 : i32
    %dma_start3A_14 = arith.constant 0 : i32
    %dma_start3A_15 = tpu.memref_slice %arg2[%dma_start3A_13, %dma_start3A_14] : memref<1024x256xf32, #tpu.memory_space<hbm>> -> memref<1024x256xf32, #tpu.memory_space<hbm>>
    tpu.enqueue_indirect_dma source(%dma_start3A_15 : memref<1024x256xf32, #tpu.memory_space<hbm>>) target(%arg6 : memref<256x256xf32, #tpu.memory_space<vmem>>) offsets(%arg5 : memref<256xi32, #tpu.memory_space<vmem>>) semaphore(%arg7 : memref<!tpu.dma_semaphore, #tpu.memory_space<semaphore_mem>>)
    %dma_wait3A_16 = arith.constant 0 : i32
    %dma_wait3A_17 = arith.constant 0 : i32
    %dma_wait3A_18 = tpu.memref_slice %arg2[%dma_wait3A_16, %dma_wait3A_17] : memref<1024x256xf32, #tpu.memory_space<hbm>> -> memref<1024x256xf32, #tpu.memory_space<hbm>>
    tpu.wait_indirect_dma semaphore(%arg7 : memref<!tpu.dma_semaphore, #tpu.memory_space<semaphore_mem>>) src(%dma_wait3A_18 : memref<1024x256xf32, #tpu.memory_space<hbm>>) dst(%arg6 : memref<256x256xf32, #tpu.memory_space<vmem>>)
    "tpu.region"() ({
      %run_scoped3A = tpu.sem_alloc : memref<!tpu.dma_semaphore, #tpu.memory_space<semaphore_mem>>
      %dma_start3A_19 = arith.constant 0 : i32
      %dma_start3A_20 = tpu.memref_slice %arg4[%add3A_12, %dma_start3A_19] : memref<16384x256xf32, #tpu.memory_space<hbm>> -> memref<256x256xf32, #tpu.memory_space<hbm>>
      %dma_start3A_21 = arith.constant 0 : i32
      %dma_start3A_22 = tpu.memref_slice %arg4[%add3A_12, %dma_start3A_21] : memref<16384x256xf32, #tpu.memory_space<hbm>> -> memref<256x256xf32, #tpu.memory_space<hbm>>
      tpu.enqueue_dma source(%arg6 : memref<256x256xf32, #tpu.memory_space<vmem>>) target(%dma_start3A_22 : memref<256x256xf32, #tpu.memory_space<hbm>>) target_semaphore(%run_scoped3A : memref<!tpu.dma_semaphore, #tpu.memory_space<semaphore_mem>>)
      %dma_wait3A_23 = arith.constant 0 : i32
      %dma_wait3A_24 = tpu.memref_slice %arg4[%add3A_12, %dma_wait3A_23] : memref<16384x256xf32, #tpu.memory_space<hbm>> -> memref<256x256xf32, #tpu.memory_space<hbm>>
      %dma_wait3A_25 = arith.constant 0 : i32
      %dma_wait3A_26 = tpu.memref_slice %arg4[%add3A_12, %dma_wait3A_25] : memref<16384x256xf32, #tpu.memory_space<hbm>> -> memref<256x256xf32, #tpu.memory_space<hbm>>
      tpu.wait_dma2 semaphore(%run_scoped3A : memref<!tpu.dma_semaphore, #tpu.memory_space<semaphore_mem>>) src(%arg6 : memref<256x256xf32, #tpu.memory_space<vmem>>) dst(%dma_wait3A_26 : memref<256x256xf32, #tpu.memory_space<hbm>>)
      tpu.yield
    }) : () -> ()
    return
  }
}

module attributes {stable_mosaic.version = 14 : i64} {
  func.func @_setup_kernel(%arg0: i32, %arg1: memref<1x512x64xf32, #tpu.memory_space<vmem>>, %arg2: memref<1x512x3xf32, #tpu.memory_space<vmem>>, %arg3: memref<64x192xf32, #tpu.memory_space<vmem>>, %arg4: memref<3x64xf32, #tpu.memory_space<vmem>>, %arg5: memref<1x512x64xf32, #tpu.memory_space<vmem>>, %arg6: memref<1x512x64xf32, #tpu.memory_space<vmem>>, %arg7: memref<1x512x512xf32, #tpu.memory_space<vmem>>, %arg8: memref<1x512x256xf32, #tpu.memory_space<vmem>>) attributes {dimension_semantics = [#tpu.dimension_semantics<arbitrary>], iteration_bounds = array<i64: 2>, scalar_prefetch = 0 : i64, scratch_operands = 0 : i64, tpu.core_type = #tpu.core_type<tc>, window_params = [{transform_indices = @transform_0, window_bounds = array<i64: 1, 512, 64>}, {transform_indices = @transform_1, window_bounds = array<i64: 1, 512, 3>}, {pipeline_mode = #tpu.pipeline_mode<synchronous>, transform_indices = @transform_2, window_bounds = array<i64: 64, 192>}, {pipeline_mode = #tpu.pipeline_mode<synchronous>, transform_indices = @transform_3, window_bounds = array<i64: 3, 64>}, {transform_indices = @transform_4, window_bounds = array<i64: 1, 512, 64>}, {transform_indices = @transform_5, window_bounds = array<i64: 1, 512, 64>}, {transform_indices = @transform_6, window_bounds = array<i64: 1, 512, 512>}, {transform_indices = @transform_7, window_bounds = array<i64: 1, 512, 256>}]} {
    %get3A = arith.constant 0 : index
    %get3A_0 = arith.constant 0 : index
    %get3A_1 = arith.constant 0 : index
    %get3A_2 = vector.load %arg2[%get3A, %get3A_0, %get3A_1] : memref<1x512x3xf32, #tpu.memory_space<vmem>>, vector<1x512x3xf32>
    %get3A_3 = vector.shape_cast %get3A_2 : vector<1x512x3xf32> to vector<512x3xf32>
    %get3A_4 = arith.constant 0 : index
    %get3A_5 = arith.constant 0 : index
    %get3A_6 = arith.constant 0 : index
    %get3A_7 = vector.load %arg1[%get3A_4, %get3A_5, %get3A_6] : memref<1x512x64xf32, #tpu.memory_space<vmem>>, vector<1x512x64xf32>
    %get3A_8 = vector.shape_cast %get3A_7 : vector<1x512x64xf32> to vector<512x64xf32>
    %get3A_9 = arith.constant 0 : index
    %get3A_10 = arith.constant 0 : index
    %get3A_11 = vector.load %arg3[%get3A_9, %get3A_10] : memref<64x192xf32, #tpu.memory_space<vmem>>, vector<64x192xf32>
    %dot_general3A = arith.constant dense<0.000000e+00> : vector<512x192xf32>
    %dot_general3A_12 = tpu.matmul %get3A_8, %get3A_11, %dot_general3A {dimension_numbers = #tpu.dot_dimension_numbers<[1], [0], [0], [1], [0, 0, 1, 1], [], []>, precision = #tpu.contract_precision<fp32>, transpose_lhs_hint = false} : vector<512x64xf32>, vector<64x192xf32>, vector<512x192xf32> -> vector<512x192xf32>
    %slice3A = vector.extract_strided_slice %dot_general3A_12 {offsets = [0, 0], sizes = [512, 64], strides = [1, 1]} : vector<512x192xf32> to vector<512x64xf32>
    %swap3A = arith.constant 0 : index
    %swap3A_13 = arith.constant 0 : index
    %swap3A_14 = arith.constant 0 : index
    %swap3A_15 = vector.load %arg5[%swap3A, %swap3A_13, %swap3A_14] : memref<1x512x64xf32, #tpu.memory_space<vmem>>, vector<1x512x64xf32>
    %swap3A_16 = vector.shape_cast %swap3A_15 : vector<1x512x64xf32> to vector<512x64xf32>
    %swap3A_17 = vector.shape_cast %slice3A : vector<512x64xf32> to vector<1x512x64xf32>
    tpu.vector_store %arg5[%swap3A, %swap3A_13, %swap3A_14], %swap3A_17 {strides = array<i32>} : memref<1x512x64xf32, #tpu.memory_space<vmem>>, vector<1x512x64xf32>,
    %get3A_18 = arith.constant 0 : index
    %get3A_19 = arith.constant 0 : index
    %get3A_20 = vector.load %arg4[%get3A_18, %get3A_19] : memref<3x64xf32, #tpu.memory_space<vmem>>, vector<3x64xf32>
    %dot_general3A_21 = arith.constant dense<0.000000e+00> : vector<512x64xf32>
    %dot_general3A_22 = tpu.matmul %get3A_3, %get3A_20, %dot_general3A_21 {dimension_numbers = #tpu.dot_dimension_numbers<[1], [0], [0], [1], [0, 0, 1, 1], [], []>, precision = #tpu.contract_precision<fp32>, transpose_lhs_hint = false} : vector<512x3xf32>, vector<3x64xf32>, vector<512x64xf32> -> vector<512x64xf32>
    %swap3A_23 = arith.constant 0 : index
    %swap3A_24 = arith.constant 0 : index
    %swap3A_25 = arith.constant 0 : index
    %swap3A_26 = vector.load %arg6[%swap3A_23, %swap3A_24, %swap3A_25] : memref<1x512x64xf32, #tpu.memory_space<vmem>>, vector<1x512x64xf32>
    %swap3A_27 = vector.shape_cast %swap3A_26 : vector<1x512x64xf32> to vector<512x64xf32>
    %swap3A_28 = vector.shape_cast %dot_general3A_22 : vector<512x64xf32> to vector<1x512x64xf32>
    tpu.vector_store %arg6[%swap3A_23, %swap3A_24, %swap3A_25], %swap3A_28 {strides = array<i32>} : memref<1x512x64xf32, #tpu.memory_space<vmem>>, vector<1x512x64xf32>,
    %broadcast_in_dim3A = arith.constant 0.000000e+00 : f32
    %broadcast_in_dim3A_29 = vector.broadcast %broadcast_in_dim3A : f32 to vector<512x64xf32>
    %slice3A_30 = vector.extract_strided_slice %dot_general3A_12 {offsets = [0, 64], sizes = [512, 128], strides = [1, 1]} : vector<512x192xf32> to vector<512x128xf32>
    %concatenate3A = tpu.concatenate %slice3A_30, %dot_general3A_22, %broadcast_in_dim3A_29 in 1 : vector<512x128xf32>, vector<512x64xf32>, vector<512x64xf32> -> vector<512x256xf32>
    %swap3A_31 = arith.constant 0 : index
    %swap3A_32 = arith.constant 0 : index
    %swap3A_33 = arith.constant 0 : index
    %swap3A_34 = vector.load %arg8[%swap3A_31, %swap3A_32, %swap3A_33] : memref<1x512x256xf32, #tpu.memory_space<vmem>>, vector<1x512x256xf32>
    %swap3A_35 = vector.shape_cast %swap3A_34 : vector<1x512x256xf32> to vector<512x256xf32>
    %swap3A_36 = vector.shape_cast %concatenate3A : vector<512x256xf32> to vector<1x512x256xf32>
    tpu.vector_store %arg8[%swap3A_31, %swap3A_32, %swap3A_33], %swap3A_36 {strides = array<i32>} : memref<1x512x256xf32, #tpu.memory_space<vmem>>, vector<1x512x256xf32>,
    %broadcast_in_dim3A_37 = arith.constant 1.000000e+00 : f32
    %broadcast_in_dim3A_38 = vector.broadcast %broadcast_in_dim3A_37 : f32 to vector<512x1xf32>
    %slice3A_39 = vector.extract_strided_slice %get3A_3 {offsets = [0, 0], sizes = [512, 1], strides = [1, 1]} : vector<512x3xf32> to vector<512x1xf32>
    %dot_general3A_40 = arith.constant dense<0.000000e+00> : vector<512x512xf32>
    %dot_general3A_41 = tpu.matmul %slice3A_39, %broadcast_in_dim3A_38, %dot_general3A_40 {dimension_numbers = #tpu.dot_dimension_numbers<[1], [1], [0], [0], [0, 0, 1, 0], [], []>, precision = #tpu.contract_precision<fp32>, transpose_lhs_hint = false} : vector<512x1xf32>, vector<512x1xf32>, vector<512x512xf32> -> vector<512x512xf32>
    %dot_general3A_42 = arith.constant dense<0.000000e+00> : vector<512x512xf32>
    %dot_general3A_43 = tpu.matmul %broadcast_in_dim3A_38, %slice3A_39, %dot_general3A_42 {dimension_numbers = #tpu.dot_dimension_numbers<[1], [1], [0], [0], [0, 0, 1, 0], [], []>, precision = #tpu.contract_precision<fp32>, transpose_lhs_hint = false} : vector<512x1xf32>, vector<512x1xf32>, vector<512x512xf32> -> vector<512x512xf32>
    %sub3A = arith.subf %dot_general3A_41, %dot_general3A_43 : vector<512x512xf32>
    %mul3A = arith.mulf %sub3A, %sub3A : vector<512x512xf32>
    %slice3A_44 = vector.extract_strided_slice %get3A_3 {offsets = [0, 1], sizes = [512, 1], strides = [1, 1]} : vector<512x3xf32> to vector<512x1xf32>
    %dot_general3A_45 = arith.constant dense<0.000000e+00> : vector<512x512xf32>
    %dot_general3A_46 = tpu.matmul %slice3A_44, %broadcast_in_dim3A_38, %dot_general3A_45 {dimension_numbers = #tpu.dot_dimension_numbers<[1], [1], [0], [0], [0, 0, 1, 0], [], []>, precision = #tpu.contract_precision<fp32>, transpose_lhs_hint = false} : vector<512x1xf32>, vector<512x1xf32>, vector<512x512xf32> -> vector<512x512xf32>
    %dot_general3A_47 = arith.constant dense<0.000000e+00> : vector<512x512xf32>
    %dot_general3A_48 = tpu.matmul %broadcast_in_dim3A_38, %slice3A_44, %dot_general3A_47 {dimension_numbers = #tpu.dot_dimension_numbers<[1], [1], [0], [0], [0, 0, 1, 0], [], []>, precision = #tpu.contract_precision<fp32>, transpose_lhs_hint = false} : vector<512x1xf32>, vector<512x1xf32>, vector<512x512xf32> -> vector<512x512xf32>
    %sub3A_49 = arith.subf %dot_general3A_46, %dot_general3A_48 : vector<512x512xf32>
    %mul3A_50 = arith.mulf %sub3A_49, %sub3A_49 : vector<512x512xf32>
    %add3A = arith.addf %mul3A, %mul3A_50 : vector<512x512xf32>
    %slice3A_51 = vector.extract_strided_slice %get3A_3 {offsets = [0, 2], sizes = [512, 1], strides = [1, 1]} : vector<512x3xf32> to vector<512x1xf32>
    %dot_general3A_52 = arith.constant dense<0.000000e+00> : vector<512x512xf32>
    %dot_general3A_53 = tpu.matmul %slice3A_51, %broadcast_in_dim3A_38, %dot_general3A_52 {dimension_numbers = #tpu.dot_dimension_numbers<[1], [1], [0], [0], [0, 0, 1, 0], [], []>, precision = #tpu.contract_precision<fp32>, transpose_lhs_hint = false} : vector<512x1xf32>, vector<512x1xf32>, vector<512x512xf32> -> vector<512x512xf32>
    %dot_general3A_54 = arith.constant dense<0.000000e+00> : vector<512x512xf32>
    %dot_general3A_55 = tpu.matmul %broadcast_in_dim3A_38, %slice3A_51, %dot_general3A_54 {dimension_numbers = #tpu.dot_dimension_numbers<[1], [1], [0], [0], [0, 0, 1, 0], [], []>, precision = #tpu.contract_precision<fp32>, transpose_lhs_hint = false} : vector<512x1xf32>, vector<512x1xf32>, vector<512x512xf32> -> vector<512x512xf32>
    %sub3A_56 = arith.subf %dot_general3A_53, %dot_general3A_55 : vector<512x512xf32>
    %mul3A_57 = arith.mulf %sub3A_56, %sub3A_56 : vector<512x512xf32>
    %add3A_58 = arith.addf %add3A, %mul3A_57 : vector<512x512xf32>
    %sqrt3A = math.sqrt %add3A_58 : vector<512x512xf32>
    %swap3A_59 = arith.constant 0 : index
    %swap3A_60 = arith.constant 0 : index
    %swap3A_61 = arith.constant 0 : index
    %swap3A_62 = vector.load %arg7[%swap3A_59, %swap3A_60, %swap3A_61] : memref<1x512x512xf32, #tpu.memory_space<vmem>>, vector<1x512x512xf32>
    %swap3A_63 = vector.shape_cast %swap3A_62 : vector<1x512x512xf32> to vector<512x512xf32>
    %swap3A_64 = vector.shape_cast %sqrt3A : vector<512x512xf32> to vector<1x512x512xf32>
    tpu.vector_store %arg7[%swap3A_59, %swap3A_60, %swap3A_61], %swap3A_64 {strides = array<i32>} : memref<1x512x512xf32, #tpu.memory_space<vmem>>, vector<1x512x512xf32>,
    return
  }
  func.func @transform_0(%arg0: i32) -> (i32, i32, i32) {
    %c0_i32 = arith.constant 0 : i32
    %c0_i32_0 = arith.constant 0 : i32
    %c0_i32_1 = arith.constant 0 : i32
    return %arg0, %c0_i32, %c0_i32_0 : i32, i32, i32
  }
  func.func @transform_1(%arg0: i32) -> (i32, i32, i32) {
    %c0_i32 = arith.constant 0 : i32
    %c0_i32_0 = arith.constant 0 : i32
    %c0_i32_1 = arith.constant 0 : i32
    return %arg0, %c0_i32, %c0_i32_0 : i32, i32, i32
  }
  func.func @transform_2(%arg0: i32) -> (i32, i32) {
    %c0_i32 = arith.constant 0 : i32
    %c0_i32_0 = arith.constant 0 : i32
    %c0_i32_1 = arith.constant 0 : i32
    return %c0_i32, %c0_i32_0 : i32, i32
  }
  func.func @transform_3(%arg0: i32) -> (i32, i32) {
    %c0_i32 = arith.constant 0 : i32
    %c0_i32_0 = arith.constant 0 : i32
    %c0_i32_1 = arith.constant 0 : i32
    return %c0_i32, %c0_i32_0 : i32, i32
  }
  func.func @transform_4(%arg0: i32) -> (i32, i32, i32) {
    %c0_i32 = arith.constant 0 : i32
    %c0_i32_0 = arith.constant 0 : i32
    %c0_i32_1 = arith.constant 0 : i32
    return %arg0, %c0_i32, %c0_i32_0 : i32, i32, i32
  }
  func.func @transform_5(%arg0: i32) -> (i32, i32, i32) {
    %c0_i32 = arith.constant 0 : i32
    %c0_i32_0 = arith.constant 0 : i32
    %c0_i32_1 = arith.constant 0 : i32
    return %arg0, %c0_i32, %c0_i32_0 : i32, i32, i32
  }
  func.func @transform_6(%arg0: i32) -> (i32, i32, i32) {
    %c0_i32 = arith.constant 0 : i32
    %c0_i32_0 = arith.constant 0 : i32
    %c0_i32_1 = arith.constant 0 : i32
    return %arg0, %c0_i32, %c0_i32_0 : i32, i32, i32
  }
  func.func @transform_7(%arg0: i32) -> (i32, i32, i32) {
    %c0_i32 = arith.constant 0 : i32
    %c0_i32_0 = arith.constant 0 : i32
    %c0_i32_1 = arith.constant 0 : i32
    return %arg0, %c0_i32, %c0_i32_0 : i32, i32, i32
  }
}

module attributes {stable_mosaic.version = 14 : i64} {
  func.func @_select_kernel(%arg0: i32, %arg1: i32, %arg2: memref<1x512x512xf32, #tpu.memory_space<vmem>>, %arg3: memref<1x1x512x1xi32, #tpu.memory_space<vmem>>, %arg4: memref<512x1xf32, #tpu.memory_space<vmem>>, %arg5: memref<512x1xi32, #tpu.memory_space<vmem>>) attributes {dimension_semantics = [#tpu.dimension_semantics<arbitrary>, #tpu.dimension_semantics<arbitrary>], iteration_bounds = array<i64: 2, 16>, scalar_prefetch = 0 : i64, scratch_operands = 2 : i64, tpu.core_type = #tpu.core_type<tc>, window_params = [{transform_indices = @transform_0, window_bounds = array<i64: 1, 512, 512>}, {transform_indices = @transform_1, window_bounds = array<i64: 1, 1, 512, 1>}]} {
    %eq3A = arith.constant 0 : i32
    %eq3A_0 = arith.cmpi eq, %arg1, %eq3A : i32
    %get3A = arith.constant 0 : index
    %get3A_1 = arith.constant 0 : index
    %get3A_2 = arith.constant 0 : index
    %get3A_3 = vector.load %arg2[%get3A, %get3A_1, %get3A_2] : memref<1x512x512xf32, #tpu.memory_space<vmem>>, vector<1x512x512xf32>
    %get3A_4 = vector.shape_cast %get3A_3 : vector<1x512x512xf32> to vector<512x512xf32>
    %get3A_5 = arith.constant 0 : index
    %get3A_6 = arith.constant 0 : index
    %get3A_7 = vector.load %arg4[%get3A_5, %get3A_6] : memref<512x1xf32, #tpu.memory_space<vmem>>, vector<512x1xf32>
    %jit3A = arith.constant -3.000000e+38 : f32
    %broadcast_in_dim3A = vector.broadcast %jit3A : f32 to vector<512x1xf32>
    %select_n3A = arith.select %eq3A_0, %broadcast_in_dim3A, %get3A_7 : vector<512x1xf32>
    %get3A_8 = arith.constant 0 : index
    %get3A_9 = arith.constant 0 : index
    %get3A_10 = vector.load %arg5[%get3A_8, %get3A_9] : memref<512x1xi32, #tpu.memory_space<vmem>>, vector<512x1xi32>
    %jit3A_11 = arith.constant -1 : i32
    %broadcast_in_dim3A_12 = vector.broadcast %jit3A_11 : i32 to vector<512x1xi32>
    %select_n3A_13 = arith.select %eq3A_0, %broadcast_in_dim3A_12, %get3A_10 : vector<512x1xi32>
    %iota3A = tpu.iota {dimensions = array<i32: 1>} : vector<512x512xi32>
    %gt3A = vector.broadcast %select_n3A : vector<512x1xf32> to vector<512x512xf32>
    %gt3A_14 = arith.cmpf ogt, %get3A_4, %gt3A : vector<512x512xf32>
    %eq3A_15 = vector.broadcast %select_n3A : vector<512x1xf32> to vector<512x512xf32>
    %eq3A_16 = arith.cmpf oeq, %get3A_4, %eq3A_15 : vector<512x512xf32>
    %gt3A_17 = vector.broadcast %select_n3A_13 : vector<512x1xi32> to vector<512x512xi32>
    %gt3A_18 = arith.cmpi sgt, %iota3A, %gt3A_17 : vector<512x512xi32>
    %and3A = arith.andi %eq3A_16, %gt3A_18 : vector<512x512xi1>
    %or3A = arith.ori %gt3A_14, %and3A : vector<512x512xi1>
    %jit3A_19 = arith.constant 3.000000e+38 : f32
    %broadcast_in_dim3A_20 = vector.broadcast %jit3A_19 : f32 to vector<512x512xf32>
    %select_n3A_21 = arith.select %or3A, %get3A_4, %broadcast_in_dim3A_20 : vector<512x512xi1>, vector<512x512xf32>
    %reduce_min3A = arith.constant dense<0x7F800000> : vector<512xf32>
    %reduce_min3A_22 = vector.multi_reduction <minimumf>, %select_n3A_21, %reduce_min3A [1] : vector<512x512xf32> to vector<512xf32>
    %broadcast_in_dim3A_23 = vector.shape_cast %reduce_min3A_22 : vector<512xf32> to vector<512x1xf32>
    %eq3A_24 = vector.broadcast %broadcast_in_dim3A_23 : vector<512x1xf32> to vector<512x512xf32>
    %eq3A_25 = arith.cmpf oeq, %select_n3A_21, %eq3A_24 : vector<512x512xf32>
    %jit3A_26 = arith.constant 512 : i32
    %broadcast_in_dim3A_27 = vector.broadcast %jit3A_26 : i32 to vector<512x512xi32>
    %select_n3A_28 = arith.select %eq3A_25, %iota3A, %broadcast_in_dim3A_27 : vector<512x512xi1>, vector<512x512xi32>
    %reduce_min3A_29 = arith.constant dense<2147483647> : vector<512xi32>
    %reduce_min3A_30 = vector.multi_reduction <minsi>, %select_n3A_28, %reduce_min3A_29 [1] : vector<512x512xi32> to vector<512xi32>
    %broadcast_in_dim3A_31 = vector.shape_cast %reduce_min3A_30 : vector<512xi32> to vector<512x1xi32>
    %swap3A = arith.constant 0 : index
    %swap3A_32 = arith.constant 0 : index
    %swap3A_33 = vector.load %arg4[%swap3A, %swap3A_32] : memref<512x1xf32, #tpu.memory_space<vmem>>, vector<512x1xf32>
    tpu.vector_store %arg4[%swap3A, %swap3A_32], %broadcast_in_dim3A_23 {strides = array<i32>} : memref<512x1xf32, #tpu.memory_space<vmem>>, vector<512x1xf32>,
    %swap3A_34 = arith.constant 0 : index
    %swap3A_35 = arith.constant 0 : index
    %swap3A_36 = vector.load %arg5[%swap3A_34, %swap3A_35] : memref<512x1xi32, #tpu.memory_space<vmem>>, vector<512x1xi32>
    tpu.vector_store %arg5[%swap3A_34, %swap3A_35], %broadcast_in_dim3A_31 {strides = array<i32>} : memref<512x1xi32, #tpu.memory_space<vmem>>, vector<512x1xi32>,
    %mul3A = arith.constant 512 : i32
    %mul3A_37 = arith.muli %arg0, %mul3A : i32
    %add3A = vector.broadcast %mul3A_37 : i32 to vector<512x1xi32>
    %add3A_38 = arith.addi %broadcast_in_dim3A_31, %add3A : vector<512x1xi32>
    %swap3A_39 = arith.constant 0 : index
    %swap3A_40 = arith.constant 0 : index
    %swap3A_41 = arith.constant 0 : index
    %swap3A_42 = arith.constant 0 : index
    %swap3A_43 = vector.load %arg3[%swap3A_39, %swap3A_40, %swap3A_41, %swap3A_42] : memref<1x1x512x1xi32, #tpu.memory_space<vmem>>, vector<1x1x512x1xi32>
    %swap3A_44 = vector.shape_cast %swap3A_43 : vector<1x1x512x1xi32> to vector<512x1xi32>
    %swap3A_45 = vector.shape_cast %add3A_38 : vector<512x1xi32> to vector<1x1x512x1xi32>
    tpu.vector_store %arg3[%swap3A_39, %swap3A_40, %swap3A_41, %swap3A_42], %swap3A_45 {strides = array<i32>} : memref<1x1x512x1xi32, #tpu.memory_space<vmem>>, vector<1x1x512x1xi32>,
    return
  }
  func.func @transform_0(%arg0: i32, %arg1: i32) -> (i32, i32, i32) {
    %c0_i32 = arith.constant 0 : i32
    %c0_i32_0 = arith.constant 0 : i32
    %c0_i32_1 = arith.constant 0 : i32
    return %arg0, %c0_i32, %c0_i32_0 : i32, i32, i32
  }
  func.func @transform_1(%arg0: i32, %arg1: i32) -> (i32, i32, i32, i32) {
    %c0_i32 = arith.constant 0 : i32
    %c0_i32_0 = arith.constant 0 : i32
    %c0_i32_1 = arith.constant 0 : i32
    return %arg0, %arg1, %c0_i32, %c0_i32_0 : i32, i32, i32, i32
  }
}

module attributes {stable_mosaic.version = 14 : i64} {
  func.func @_mlp_kernel(%arg0: i32, %arg1: i32, %arg2: memref<1x1x512x256xf32, #tpu.memory_space<vmem>>, %arg3: memref<1x512x64xf32, #tpu.memory_space<vmem>>, %arg4: memref<1x512x64xf32, #tpu.memory_space<vmem>>, %arg5: memref<1x64xf32, #tpu.memory_space<vmem>>, %arg6: memref<64x64xf32, #tpu.memory_space<vmem>>, %arg7: memref<1x64xf32, #tpu.memory_space<vmem>>, %arg8: memref<64x256xf32, #tpu.memory_space<vmem>>, %arg9: memref<1x256xf32, #tpu.memory_space<vmem>>, %arg10: memref<256x64xf32, #tpu.memory_space<vmem>>, %arg11: memref<1x64xf32, #tpu.memory_space<vmem>>, %arg12: memref<1x512x64xf32, #tpu.memory_space<vmem>>, %arg13: memref<512x64xf32, #tpu.memory_space<vmem>>, %arg14: memref<512x64xf32, #tpu.memory_space<vmem>>, %arg15: memref<512x64xf32, #tpu.memory_space<vmem>>) attributes {dimension_semantics = [#tpu.dimension_semantics<arbitrary>, #tpu.dimension_semantics<arbitrary>], iteration_bounds = array<i64: 2, 16>, scalar_prefetch = 0 : i64, scratch_operands = 3 : i64, tpu.core_type = #tpu.core_type<tc>, window_params = [{transform_indices = @transform_0, window_bounds = array<i64: 1, 1, 512, 256>}, {transform_indices = @transform_1, window_bounds = array<i64: 1, 512, 64>}, {transform_indices = @transform_2, window_bounds = array<i64: 1, 512, 64>}, {pipeline_mode = #tpu.pipeline_mode<synchronous>, transform_indices = @transform_3, window_bounds = array<i64: 1, 64>}, {pipeline_mode = #tpu.pipeline_mode<synchronous>, transform_indices = @transform_4, window_bounds = array<i64: 64, 64>}, {pipeline_mode = #tpu.pipeline_mode<synchronous>, transform_indices = @transform_5, window_bounds = array<i64: 1, 64>}, {pipeline_mode = #tpu.pipeline_mode<synchronous>, transform_indices = @transform_6, window_bounds = array<i64: 64, 256>}, {pipeline_mode = #tpu.pipeline_mode<synchronous>, transform_indices = @transform_7, window_bounds = array<i64: 1, 256>}, {pipeline_mode = #tpu.pipeline_mode<synchronous>, transform_indices = @transform_8, window_bounds = array<i64: 256, 64>}, {pipeline_mode = #tpu.pipeline_mode<synchronous>, transform_indices = @transform_9, window_bounds = array<i64: 1, 64>}, {transform_indices = @transform_10, window_bounds = array<i64: 1, 512, 64>}]} {
    %eq3A = arith.constant 0 : i32
    %eq3A_0 = arith.cmpi eq, %arg1, %eq3A : i32
    %get3A = arith.constant 0 : index
    %get3A_1 = arith.constant 0 : index
    %get3A_2 = arith.constant 0 : index
    %get3A_3 = arith.constant 0 : index
    %get3A_4 = vector.load %arg2[%get3A, %get3A_1, %get3A_2, %get3A_3] : memref<1x1x512x256xf32, #tpu.memory_space<vmem>>, vector<1x1x512x256xf32>
    %get3A_5 = vector.shape_cast %get3A_4 : vector<1x1x512x256xf32> to vector<512x256xf32>
    %slice3A = vector.extract_strided_slice %get3A_5 {offsets = [0, 0], sizes = [512, 64], strides = [1, 1]} : vector<512x256xf32> to vector<512x64xf32>
    %slice3A_6 = vector.extract_strided_slice %get3A_5 {offsets = [0, 64], sizes = [512, 64], strides = [1, 1]} : vector<512x256xf32> to vector<512x64xf32>
    %slice3A_7 = vector.extract_strided_slice %get3A_5 {offsets = [0, 128], sizes = [512, 64], strides = [1, 1]} : vector<512x256xf32> to vector<512x64xf32>
    %get3A_8 = arith.constant 0 : index
    %get3A_9 = arith.constant 0 : index
    %get3A_10 = arith.constant 0 : index
    %get3A_11 = vector.load %arg4[%get3A_8, %get3A_9, %get3A_10] : memref<1x512x64xf32, #tpu.memory_space<vmem>>, vector<1x512x64xf32>
    %get3A_12 = vector.shape_cast %get3A_11 : vector<1x512x64xf32> to vector<512x64xf32>
    %sub3A = arith.subf %get3A_12, %slice3A_7 : vector<512x64xf32>
    %get3A_13 = arith.constant 0 : index
    %get3A_14 = arith.constant 0 : index
    %get3A_15 = vector.load %arg5[%get3A_13, %get3A_14] : memref<1x64xf32, #tpu.memory_space<vmem>>, vector<1x64xf32>
    %add3A = vector.broadcast %get3A_15 : vector<1x64xf32> to vector<512x64xf32>
    %add3A_16 = arith.addf %sub3A, %add3A : vector<512x64xf32>
    %max3A = arith.constant 0.000000e+00 : f32
    %max3A_17 = vector.broadcast %max3A : f32 to vector<512x64xf32>
    %max3A_18 = arith.maximumf %add3A_16, %max3A_17 : vector<512x64xf32>
    %get3A_19 = arith.constant 0 : index
    %get3A_20 = arith.constant 0 : index
    %get3A_21 = vector.load %arg6[%get3A_19, %get3A_20] : memref<64x64xf32, #tpu.memory_space<vmem>>, vector<64x64xf32>
    %dot_general3A = arith.constant dense<0.000000e+00> : vector<512x64xf32>
    %dot_general3A_22 = tpu.matmul %max3A_18, %get3A_21, %dot_general3A {dimension_numbers = #tpu.dot_dimension_numbers<[1], [0], [0], [1], [0, 0, 1, 1], [], []>, precision = #tpu.contract_precision<fp32>, transpose_lhs_hint = false} : vector<512x64xf32>, vector<64x64xf32>, vector<512x64xf32> -> vector<512x64xf32>
    %get3A_23 = arith.constant 0 : index
    %get3A_24 = arith.constant 0 : index
    %get3A_25 = vector.load %arg7[%get3A_23, %get3A_24] : memref<1x64xf32, #tpu.memory_space<vmem>>, vector<1x64xf32>
    %add3A_26 = vector.broadcast %get3A_25 : vector<1x64xf32> to vector<512x64xf32>
    %add3A_27 = arith.addf %dot_general3A_22, %add3A_26 : vector<512x64xf32>
    %get3A_28 = arith.constant 0 : index
    %get3A_29 = arith.constant 0 : index
    %get3A_30 = arith.constant 0 : index
    %get3A_31 = vector.load %arg3[%get3A_28, %get3A_29, %get3A_30] : memref<1x512x64xf32, #tpu.memory_space<vmem>>, vector<1x512x64xf32>
    %get3A_32 = vector.shape_cast %get3A_31 : vector<1x512x64xf32> to vector<512x64xf32>
    %sub3A_33 = arith.subf %get3A_32, %slice3A : vector<512x64xf32>
    %add3A_34 = arith.addf %sub3A_33, %add3A_27 : vector<512x64xf32>
    %get3A_35 = arith.constant 0 : index
    %get3A_36 = arith.constant 0 : index
    %get3A_37 = vector.load %arg8[%get3A_35, %get3A_36] : memref<64x256xf32, #tpu.memory_space<vmem>>, vector<64x256xf32>
    %dot_general3A_38 = arith.constant dense<0.000000e+00> : vector<512x256xf32>
    %dot_general3A_39 = tpu.matmul %add3A_34, %get3A_37, %dot_general3A_38 {dimension_numbers = #tpu.dot_dimension_numbers<[1], [0], [0], [1], [0, 0, 1, 1], [], []>, precision = #tpu.contract_precision<fp32>, transpose_lhs_hint = false} : vector<512x64xf32>, vector<64x256xf32>, vector<512x256xf32> -> vector<512x256xf32>
    %get3A_40 = arith.constant 0 : index
    %get3A_41 = arith.constant 0 : index
    %get3A_42 = vector.load %arg9[%get3A_40, %get3A_41] : memref<1x256xf32, #tpu.memory_space<vmem>>, vector<1x256xf32>
    %add3A_43 = vector.broadcast %get3A_42 : vector<1x256xf32> to vector<512x256xf32>
    %add3A_44 = arith.addf %dot_general3A_39, %add3A_43 : vector<512x256xf32>
    %max3A_45 = arith.constant 0.000000e+00 : f32
    %max3A_46 = vector.broadcast %max3A_45 : f32 to vector<512x256xf32>
    %max3A_47 = arith.maximumf %add3A_44, %max3A_46 : vector<512x256xf32>
    %get3A_48 = arith.constant 0 : index
    %get3A_49 = arith.constant 0 : index
    %get3A_50 = vector.load %arg10[%get3A_48, %get3A_49] : memref<256x64xf32, #tpu.memory_space<vmem>>, vector<256x64xf32>
    %dot_general3A_51 = arith.constant dense<0.000000e+00> : vector<512x64xf32>
    %dot_general3A_52 = tpu.matmul %max3A_47, %get3A_50, %dot_general3A_51 {dimension_numbers = #tpu.dot_dimension_numbers<[1], [0], [0], [1], [0, 0, 1, 1], [], []>, precision = #tpu.contract_precision<fp32>, transpose_lhs_hint = false} : vector<512x256xf32>, vector<256x64xf32>, vector<512x64xf32> -> vector<512x64xf32>
    %get3A_53 = arith.constant 0 : index
    %get3A_54 = arith.constant 0 : index
    %get3A_55 = vector.load %arg11[%get3A_53, %get3A_54] : memref<1x64xf32, #tpu.memory_space<vmem>>, vector<1x64xf32>
    %add3A_56 = vector.broadcast %get3A_55 : vector<1x64xf32> to vector<512x64xf32>
    %add3A_57 = arith.addf %dot_general3A_52, %add3A_56 : vector<512x64xf32>
    %add3A_58 = arith.addf %slice3A_6, %add3A_27 : vector<512x64xf32>
    %get3A_59 = arith.constant 0 : index
    %get3A_60 = arith.constant 0 : index
    %get3A_61 = vector.load %arg13[%get3A_59, %get3A_60] : memref<512x64xf32, #tpu.memory_space<vmem>>, vector<512x64xf32>
    %jit3A = arith.constant -3.000000e+38 : f32
    %broadcast_in_dim3A = vector.broadcast %jit3A : f32 to vector<512x64xf32>
    %select_n3A = arith.select %eq3A_0, %broadcast_in_dim3A, %get3A_61 : vector<512x64xf32>
    %get3A_62 = arith.constant 0 : index
    %get3A_63 = arith.constant 0 : index
    %get3A_64 = vector.load %arg14[%get3A_62, %get3A_63] : memref<512x64xf32, #tpu.memory_space<vmem>>, vector<512x64xf32>
    %jit3A_65 = arith.constant 0.000000e+00 : f32
    %broadcast_in_dim3A_66 = vector.broadcast %jit3A_65 : f32 to vector<512x64xf32>
    %select_n3A_67 = arith.select %eq3A_0, %broadcast_in_dim3A_66, %get3A_64 : vector<512x64xf32>
    %get3A_68 = arith.constant 0 : index
    %get3A_69 = arith.constant 0 : index
    %get3A_70 = vector.load %arg15[%get3A_68, %get3A_69] : memref<512x64xf32, #tpu.memory_space<vmem>>, vector<512x64xf32>
    %jit3A_71 = arith.constant 0.000000e+00 : f32
    %broadcast_in_dim3A_72 = vector.broadcast %jit3A_71 : f32 to vector<512x64xf32>
    %select_n3A_73 = arith.select %eq3A_0, %broadcast_in_dim3A_72, %get3A_70 : vector<512x64xf32>
    %max3A_74 = arith.maximumf %select_n3A, %add3A_57 : vector<512x64xf32>
    %sub3A_75 = arith.subf %select_n3A, %max3A_74 : vector<512x64xf32>
    %exp3A = math.exp %sub3A_75 : vector<512x64xf32>
    %sub3A_76 = arith.subf %add3A_57, %max3A_74 : vector<512x64xf32>
    %exp3A_77 = math.exp %sub3A_76 : vector<512x64xf32>
    %mul3A = arith.mulf %select_n3A_67, %exp3A : vector<512x64xf32>
    %add3A_78 = arith.addf %mul3A, %exp3A_77 : vector<512x64xf32>
    %mul3A_79 = arith.mulf %select_n3A_73, %exp3A : vector<512x64xf32>
    %mul3A_80 = arith.mulf %exp3A_77, %add3A_58 : vector<512x64xf32>
    %add3A_81 = arith.addf %mul3A_79, %mul3A_80 : vector<512x64xf32>
    %swap3A = arith.constant 0 : index
    %swap3A_82 = arith.constant 0 : index
    %swap3A_83 = vector.load %arg13[%swap3A, %swap3A_82] : memref<512x64xf32, #tpu.memory_space<vmem>>, vector<512x64xf32>
    tpu.vector_store %arg13[%swap3A, %swap3A_82], %max3A_74 {strides = array<i32>} : memref<512x64xf32, #tpu.memory_space<vmem>>, vector<512x64xf32>,
    %swap3A_84 = arith.constant 0 : index
    %swap3A_85 = arith.constant 0 : index
    %swap3A_86 = vector.load %arg14[%swap3A_84, %swap3A_85] : memref<512x64xf32, #tpu.memory_space<vmem>>, vector<512x64xf32>
    tpu.vector_store %arg14[%swap3A_84, %swap3A_85], %add3A_78 {strides = array<i32>} : memref<512x64xf32, #tpu.memory_space<vmem>>, vector<512x64xf32>,
    %swap3A_87 = arith.constant 0 : index
    %swap3A_88 = arith.constant 0 : index
    %swap3A_89 = vector.load %arg15[%swap3A_87, %swap3A_88] : memref<512x64xf32, #tpu.memory_space<vmem>>, vector<512x64xf32>
    tpu.vector_store %arg15[%swap3A_87, %swap3A_88], %add3A_81 {strides = array<i32>} : memref<512x64xf32, #tpu.memory_space<vmem>>, vector<512x64xf32>,
    %div3A = arith.divf %add3A_81, %add3A_78 : vector<512x64xf32>
    %swap3A_90 = arith.constant 0 : index
    %swap3A_91 = arith.constant 0 : index
    %swap3A_92 = arith.constant 0 : index
    %swap3A_93 = vector.load %arg12[%swap3A_90, %swap3A_91, %swap3A_92] : memref<1x512x64xf32, #tpu.memory_space<vmem>>, vector<1x512x64xf32>
    %swap3A_94 = vector.shape_cast %swap3A_93 : vector<1x512x64xf32> to vector<512x64xf32>
    %swap3A_95 = vector.shape_cast %div3A : vector<512x64xf32> to vector<1x512x64xf32>
    tpu.vector_store %arg12[%swap3A_90, %swap3A_91, %swap3A_92], %swap3A_95 {strides = array<i32>} : memref<1x512x64xf32, #tpu.memory_space<vmem>>, vector<1x512x64xf32>,
    return
  }
  func.func @transform_0(%arg0: i32, %arg1: i32) -> (i32, i32, i32, i32) {
    %c0_i32 = arith.constant 0 : i32
    %c0_i32_0 = arith.constant 0 : i32
    %c0_i32_1 = arith.constant 0 : i32
    return %arg0, %arg1, %c0_i32, %c0_i32_0 : i32, i32, i32, i32
  }
  func.func @transform_1(%arg0: i32, %arg1: i32) -> (i32, i32, i32) {
    %c0_i32 = arith.constant 0 : i32
    %c0_i32_0 = arith.constant 0 : i32
    %c0_i32_1 = arith.constant 0 : i32
    return %arg0, %c0_i32, %c0_i32_0 : i32, i32, i32
  }
  func.func @transform_2(%arg0: i32, %arg1: i32) -> (i32, i32, i32) {
    %c0_i32 = arith.constant 0 : i32
    %c0_i32_0 = arith.constant 0 : i32
    %c0_i32_1 = arith.constant 0 : i32
    return %arg0, %c0_i32, %c0_i32_0 : i32, i32, i32
  }
  func.func @transform_3(%arg0: i32, %arg1: i32) -> (i32, i32) {
    %c0_i32 = arith.constant 0 : i32
    %c0_i32_0 = arith.constant 0 : i32
    %c0_i32_1 = arith.constant 0 : i32
    return %c0_i32, %c0_i32_0 : i32, i32
  }
  func.func @transform_4(%arg0: i32, %arg1: i32) -> (i32, i32) {
    %c0_i32 = arith.constant 0 : i32
    %c0_i32_0 = arith.constant 0 : i32
    %c0_i32_1 = arith.constant 0 : i32
    return %c0_i32, %c0_i32_0 : i32, i32
  }
  func.func @transform_5(%arg0: i32, %arg1: i32) -> (i32, i32) {
    %c0_i32 = arith.constant 0 : i32
    %c0_i32_0 = arith.constant 0 : i32
    %c0_i32_1 = arith.constant 0 : i32
    return %c0_i32, %c0_i32_0 : i32, i32
  }
  func.func @transform_6(%arg0: i32, %arg1: i32) -> (i32, i32) {
    %c0_i32 = arith.constant 0 : i32
    %c0_i32_0 = arith.constant 0 : i32
    %c0_i32_1 = arith.constant 0 : i32
    return %c0_i32, %c0_i32_0 : i32, i32
  }
  func.func @transform_7(%arg0: i32, %arg1: i32) -> (i32, i32) {
    %c0_i32 = arith.constant 0 : i32
    %c0_i32_0 = arith.constant 0 : i32
    %c0_i32_1 = arith.constant 0 : i32
    return %c0_i32, %c0_i32_0 : i32, i32
  }
  func.func @transform_8(%arg0: i32, %arg1: i32) -> (i32, i32) {
    %c0_i32 = arith.constant 0 : i32
    %c0_i32_0 = arith.constant 0 : i32
    %c0_i32_1 = arith.constant 0 : i32
    return %c0_i32, %c0_i32_0 : i32, i32
  }
  func.func @transform_9(%arg0: i32, %arg1: i32) -> (i32, i32) {
    %c0_i32 = arith.constant 0 : i32
    %c0_i32_0 = arith.constant 0 : i32
    %c0_i32_1 = arith.constant 0 : i32
    return %c0_i32, %c0_i32_0 : i32, i32
  }
  func.func @transform_10(%arg0: i32, %arg1: i32) -> (i32, i32, i32) {
    %c0_i32 = arith.constant 0 : i32
    %c0_i32_0 = arith.constant 0 : i32
    %c0_i32_1 = arith.constant 0 : i32
    return %arg0, %c0_i32, %c0_i32_0 : i32, i32, i32
  }
}

</mosaic_0001>

<sc_bundles>
// kernel: kernel.6.cloned.1.call-start
scs
__scs_entry_jumppad:
0x0: {  	(pc) =	sbr.rel $0x88, $3  }
0x1: {  	(tag) =	ssettag $0x0;
	lr =	simm.s32 $0x1  }
0x2: {  	[smem:$0x3F96] =	sst lr;
	_ =	strace $0xD0000000  }
0x3: {  	_ = 	snop  }
0x4: {  	_ = 	snop  }
0x5: {  	_ = 	snop  }
0x6: {  	_ = 	snop  }
0x7: {  	_ = 	snop  }
__scs_overlays_trampoline_lowered:
0x8: {  	[smem:$0x3FA5] =	sst s0  }
0x9: {  	[smem:$0x3FA6] =	sst s1  }
0xa: {  	[smem:$0x3FA7] =	sst s2  }
0xb: {  	[smem:$0x3FA8] =	sst s3  }
0xc: {  	[smem:$0x3FA9] =	sst s4  }
0xd: {  	[smem:$0x3FAA] =	sst s5  }
0xe: {  	[smem:$0x3FAB] =	sst s6  }
0xf: {  	[smem:$0x3FAC] =	sst s7  }
0x10: {  	[smem:$0x3FAD] =	sst s8  }
0x11: {  	[smem:$0x3FAE] =	sst s9;
	s0 =	simm.s32 @!p0 $0x0  }
0x12: {  	s1 =	sld [smem:$0x3F94];
	s0 =	simm.s32 @p0 $0x1  }
0x13: {  	[smem:$0x3FAF] =	sst s0;
	s0 =	simm.s32 @!p1 $0x0  }
0x14: {  	s2 =	sld [smem:$0x3F93];
	s0 =	simm.s32 @p1 $0x1  }
0x15: {  	[smem:$0x3FB0] =	sst s0;
	s0 =	simm.s32 @!p2 $0x0  }
0x16: {  	s3 =	sld [smem:$0x3FDB];
	s0 =	simm.s32 @p2 $0x1  }
0x17: {  	s4 =	simm.s32 $0x1BF5;
	[smem:$0x3FB2] =	sst s0  }
0x18: {  	s0 =	sld [smem:$0x3F95];
	_ =	swait.ge [sflag:s4], $0x0  }
0x19: {  	s7 =	sld [smem:$0x3F96]  }
0x1a: {  	s8 =	sadd.s32 $0xFFFFE003, lr  }
0x1b: {  	s9 =	sadd.s32 $0xFFFFFEF7, lr;
	s5 =	simm.s32 $0xFFFFFFFF;
	p2 =	slt.u32 s8, $0xFFFFF086  }
0x1c: {  	p1 =	slt.u32 s9, $0xF7A;
	s5 =	simm.s32 @!p2 $0x0  }
0x1d: {  	s5 =	simm.s32 @p1 $0x1;
	p0 =	seq.s32 s7, s2  }
0x1e: {  	s7 =	smul.u32 @!p0 $0xF7A, s2;
	p2 =	seq.s32 @!p0 s5, $0x0  }
0x1f: {  	s9 =	smul.u32 $0xF7A, s1;
	s8 =	simm.s32 @!p0 $0x1BF5;
	p2 =	por !p2, p0  }
0x20: {  	[sflag:s8] =	ssyncset.s32 @!p0 $0xFFFFF086;
	s6 =	sadd.s32 @!p0 s3, s7;
	s7 =	simm.s32 @!p0 $0x108  }
0x21: {  	s3 =	sadd.s32 s3, s9;
	s6 =	sadd.s32 @!p0 $0x88, s6;
	s7 =	simm.s32 @p2 $0x1082  }
0x22: {  	[simem:s7], [sflag:s8] =	dma.local @!p0 [hbm:s6], $0xF7A  }
0x23: {  	s9 =	sor.u32 $0xD0000000, s2;
	s6 =	simm.s32 $0x108;
	_ =	swait.ge @!p0 [sflag:s8], $0x0  }
0x24: {  	s3 =	sadd.s32 $0x88, s3;
	s6 =	simm.s32 @!p1 $0x1082;
	[sflag:s4] =	ssyncset.s32 $0xFFFFF086  }
0x25: {  	[simem:s6], [sflag:s4] =	dma.local [hbm:s3], $0xF7A  }
0x26: {  	[smem:$0x3F96] =	sst s1;
	(tag) =	ssettag s2;
	_ =	strace s9  }
0x27: {  	s1 =	sld [smem:$0x3FA6]  }
0x28: {  	s2 =	sld [smem:$0x3FA7]  }
0x29: {  	s4 =	sld [smem:$0x3FA9]  }
0x2a: {  	p0 =	seq.s32 s5, $0x0;
	s5 =	sld [smem:$0x3FAA]  }
0x2b: {  	s6 =	sld [smem:$0x3FAB]  }
0x2c: {  	s7 =	sld [smem:$0x3FAC]  }
0x2d: {  	s3 =	simm.s32 $0x108;
	s8 =	sld [smem:$0x3FAD]  }
0x2e: {  	s3 =	simm.s32 @!p0 $0x1082;
	s9 =	sld [smem:$0x3FAE]  }
0x2f: {  	lr =	sadd.s32 s0, s3;
	s0 =	sld [smem:$0x3FA5]  }
0x30: {  	s3 =	sld [smem:$0x3FA8]  }
0x31: {  	[smem:$0x3FB1] =	sst s10  }
0x32: {  	s10 =	sld [smem:$0x3FAF];
	_ =	sdelay $0x3  }
0x33: {  	p0 =	seq.s32 s10, $0x1;
	s10 =	sld [smem:$0x3FB1];
	_ =	sdelay $0x3  }
0x34: {  	[smem:$0x3FB1] =	sst s10  }
0x35: {  	s10 =	sld [smem:$0x3FB0];
	_ =	sdelay $0x3  }
0x36: {  	p1 =	seq.s32 s10, $0x1;
	s10 =	sld [smem:$0x3FB1];
	_ =	sdelay $0x3  }
0x37: {  	[smem:$0x3FB1] =	sst s10  }
0x38: {  	s10 =	sld [smem:$0x3FB2]  }
0x39: {  	_ = 	snop;
	(pc) =	sbr.ind lr, $3  }
0x3a: {  	_ = 	snop  }
0x3b: {  	_ = 	snop  }
0x3c: {  	p2 =	seq.s32 s10, $0x1;
	s10 =	sld [smem:$0x3FB1]  }
0x3d: {  	_ =	shalt  }
0x3e: {  	_ =	shalt  }
0x3f: {  	_ =	shalt  }
0x40: {  	_ =	shalt  }
0x41: {  	_ =	shalt  }
0x42: {  	_ =	shalt  }
0x43: {  	_ =	shalt  }
0x44: {  	_ =	shalt  }
0x45: {  	_ =	shalt  }
0x46: {  	_ =	shalt  }
0x47: {  	_ =	shalt  }
0x48: {  	_ =	shalt  }
0x49: {  	_ =	shalt  }
0x4a: {  	_ =	shalt  }
0x4b: {  	_ =	shalt  }
0x4c: {  	_ =	shalt  }
0x4d: {  	_ =	shalt  }
0x4e: {  	_ =	shalt  }
0x4f: {  	_ =	shalt  }
0x50: {  	_ =	shalt  }
0x51: {  	_ =	shalt  }
0x52: {  	_ =	shalt  }
0x53: {  	_ =	shalt  }
0x54: {  	_ =	shalt  }
0x55: {  	_ =	shalt  }
0x56: {  	_ =	shalt  }
0x57: {  	_ =	shalt  }
0x58: {  	_ =	shalt  }
0x59: {  	_ =	shalt  }
0x5a: {  	_ =	shalt  }
0x5b: {  	_ =	shalt  }
0x5c: {  	_ =	shalt  }
0x5d: {  	_ =	shalt  }
0x5e: {  	_ =	shalt  }
0x5f: {  	_ =	shalt  }
0x60: {  	_ =	shalt  }
0x61: {  	_ =	shalt  }
0x62: {  	_ =	shalt  }
0x63: {  	_ =	shalt  }
0x64: {  	_ =	shalt  }
0x65: {  	_ =	shalt  }
0x66: {  	_ =	shalt  }
0x67: {  	_ =	shalt  }
0x68: {  	_ =	shalt  }
0x69: {  	_ =	shalt  }
0x6a: {  	_ =	shalt  }
0x6b: {  	_ =	shalt  }
0x6c: {  	_ =	shalt  }
0x6d: {  	_ =	shalt  }
0x6e: {  	_ =	shalt  }
0x6f: {  	_ =	shalt  }
0x70: {  	_ =	shalt  }
0x71: {  	_ =	shalt  }
0x72: {  	_ =	shalt  }
0x73: {  	_ =	shalt  }
0x74: {  	_ =	shalt  }
0x75: {  	_ =	shalt  }
0x76: {  	_ =	shalt  }
0x77: {  	_ =	shalt  }
0x78: {  	_ =	shalt  }
0x79: {  	_ =	shalt  }
0x7a: {  	_ =	shalt  }
0x7b: {  	_ =	shalt  }
0x7c: {  	_ =	shalt  }
0x7d: {  	_ =	shalt  }
0x7e: {  	_ =	shalt  }
0x7f: {  	_ =	shalt  }
0x80: {  	_ =	shalt  }
0x81: {  	_ =	shalt  }
0x82: {  	_ =	shalt  }
0x83: {  	_ =	shalt  }
0x84: {  	_ =	shalt  }
0x85: {  	_ =	shalt  }
0x86: {  	_ =	shalt  }
0x87: {  	_ =	shalt  }
.Lfunc_end0:
.L_simem_size_0:
called_computation_lowered:
.L_overlay_start_0:
0x88: {  	s2 =	sld [smem:$0x3FD9]  }
0x89: {  	s3 =	sld [smem:$0x3FFE];
	_ =	sdelay $0x1  }
0x8a: {  	s1 =	srdreg.scid  }
0x8b: {  	s0 =	sand.u32 $0x1, s1  }
0x8c: {  	s17 =	sshll.u32 s0, $0xA;
	s2 =	sadd.s32 s3, s2  }
0x8d: {  	s2 =	sadd.s32 s2, s17  }
0x8e: {  	[smem:$0x3FBD] =	sst s2  }
0x8f: {  	_ = 	snop  }
0x90: {  	s2 =	sld [smem:$0x3FD0];
	(tm) =	ssettm $0x1  }
0x91: {  	s18 =	sld [smem:$0x3FFB];
	_ =	sdelay $0x3  }
0x92: {  	_ =	strace s18  }
0x93: {  	s3 =	sld [smem:$0x3FFC];
	_ =	sdelay $0x3  }
0x94: {  	_ =	strace s3  }
0x95: {  	s3 =	sld [smem:$0x3FFD];
	_ =	sdelay $0x3  }
0x96: {  	_ =	strace s3  }
0x97: {  	_ =	strace $0x8FFFFFFF  }
0x98: {  	s19 =	sld [smem:$0x3FDB];
	_ =	sdelay $0x1  }
0x99: {  	s4 =	simm.s32 $_scs_section_size  }
0x9a: {  	s5 =	simm.s32 $_size__tile_overlayer_lowered;
	s6 =	simm.s32 $_tile_overlayer_lowered  }
0x9b: {  	s22 =	simm.s32 $0x1BFF;
	s21 =	sshll.u32 s6, $0x1;
	s3 =	sadd.s32 s4, s19  }
0x9c: {  	s7 =	simm.s32 $0x0;
	s20 =	sshll.u32 s5, $0x1;
	s5 =	sadd.s32 s21, s3  }
0x9d: {  	[timem:s7], [sflag:s22] =	dma.local [hbm:s5], s20  }
0x9e: {  	_ =	swait.ge [sflag:s22], s20  }
0x9f: {  	s4 =	ssub.s32 $0x0, s20;
	[sflag:s22] =	ssyncset.done $0x0  }
0xa0: {  	[sflag:s22] =	ssyncadd.s32 s4;
	_ =	sdelay $0x1  }
0xa1: {  	s23 =	simm.s32 $0x1B8B  }
0xa2: {  	_ =	swait.ge [sflag:s23], $0x1  }
0xa3: {  	[sflag:s23] =	ssyncset.done $0x0  }
0xa4: {  	s25 =	simm.s32 $0x1B8E;
	s24 =	sld [smem:$0x3FFE];
	[sflag:s23] =	ssyncadd.s32 $0xFFFFFFFF  }
0xa5: {  	s26 =	simm.s32 $execute0_lowered;
	[smem:$0x3FD2] =	sst s25  }
0xa6: {  	s5 =	sshll.u32 s26, $0x1;
	_ =	strace $0x80000046;
	[dreg:$0x1] =	wrdreg $0xFFFFFFFF  }
0xa7: {  	s28 =	simm.s32 $_size_execute0_lowered;
	s3 =	sadd.s32 s3, s5;
	[dreg:$0x0] =	wrdreg $0x0  }
0xa8: {  	s5 =	sshll.u32 s28, $0x1;
	[dreg:$0x2] =	wrdreg s3  }
0xa9: {  	[dreg:$0x3] =	wrdreg s5  }
0xaa: {  	[dreg:$0x4] =	wrdreg $0xC0  }
0xab: {  	_ =	task [dreg:s7], $0x5FFFF  }
0xac: {  	[dreg:$0x1] =	wrdreg $0xFFFFFFFF  }
0xad: {  	[dreg:$0x0] =	wrdreg $0x60  }
0xae: {  	[dreg:$0x2] =	wrdreg s24  }
0xaf: {  	[dreg:$0x3] =	wrdreg s2  }
0xb0: {  	[dreg:$0x4] =	wrdreg $0x9  }
0xb1: {  	_ =	task.clear_ibuf [dreg:s7], $0x5FFFF;
	_ =	strace $0x90000046  }
0xb2: {  	s29 =	simm.s32 $0x9;
	_ =	strace $0x80000048  }
0xb3: {  	_ =	swait.ge [sflag:s29], $0x1  }
0xb4: {  	[sflag:s29] =	ssyncadd.s32 $0xFFFFFFFF  }
0xb5: {  	_ =	strace $0x90000048  }
0xb6: {  	_ =	sfence  }
0xb7: {  	s30 =	sld [smem:$0x0];
	_ =	sdelay $0x2  }
0xb8: {  	s31 =	sshll.u32 s1, $0xD;
	s1 =	sshrl.u32 s1, $0x2  }
0xb9: {  	s3 =	sand.u32 $0x4000, s31;
	s1 =	sadd.s32 s1, s30  }
0xba: {  	s0 =	sor.u32 s3, s0;
	s1 =	sshll.u32 s1, $0x11  }
0xbb: {  	s0 =	sor.u32 s1, s0  }
0xbc: {  	s0 =	sadd.s32 $0x8F2B, s0  }
0xbd: {  	[sflag:s0] =	ssyncadd.remote.s32 $0x1  }
0xbe: {  	_ =	sfence.sel $0xFFFF  }
0xbf: {  	[dreg:$0x0] =	wrdreg $0xFFFFFFFF;
	(pc) =	sbr.abs _section_cstart, $3  }
0xc0: {  	[dreg:$0x1] =	wrdreg $0xFFFFFFFF  }
0xc1: {  	_ =	task.clear_ibuf [dreg:s7], $0x2FFFF;
	_ =	strace $0x9FFFFFFF  }
0xc2: {  	(tm) =	ssettm $0x7FFFFFFF  }
0xc3: {  	_ =	shalt  }
tec
execute0_lowered:
.L_overlay_start_1:
0x0: {  	(tag) =	ssettag $0x1  }
0x1: {  	s0 =	rddreg [dreg:$0x0]  }
0x2: {  	s1 =	rddreg [dreg:$0x1]  }
0x3: {  	s2 =	simm.s32 $0x0;
	s3 =	srdreg.scid;
	s5 =	stileid.u32  }
0x4: {  	s12 =	simm.s32 $0x1;
	s14 =	simm.s32 $0x900;
	s15 =	simm.s32 $0x1100  }
0x5: {  	s16 =	simm.s32 $0x1900;
	s17 =	simm.s32 $0x2100;
	s18 =	simm.s32 $0x2900  }
0x6: {  	s19 =	simm.s32 $0x3100;
	s20 =	simm.s32 $0x3900;
	s21 =	simm.s32 $0x4100  }
0x7: {  	s22 =	simm.s32 $0x4900;
	s23 =	simm.s32 $0x5100;
	s28 =	simm.s32 $0x7100  }
0x8: {  	s29 =	simm.s32 $0x7900;
	s30 =	simm.s32 $0x8100;
	s31 =	simm.s32 $0x8900  }
0x9: {  	s9 =	simm.s32 $0xB100;
	s10 =	simm.s32 $0xB900;
	s11 =	simm.s32 $0xC100  }
0xa: {  	[smem:$0x7FF] =	sst s2;
	s4 =	sand.u32 $0x1, s3;
	s5 =	sshll.u32 s5, $0xA  }
0xb: {  	s3 =	sadd.s32 $0x1800, s0;
	s0 =	sadd.s32 $0x9800, s0;
	s6 =	sshll.u32 s4, $0x9  }
0xc: {  	_ =	strace $0x80000047;
	s4 =	ssub.s32 $0x2, s4;
	s5 =	sor.u32 s6, s5  }
0xd: {  	s24 =	sshrl.u32 s4, $0x1;
	s6 =	simm.s32 $0xC900;
	s7 =	sshrl.u32 s5, $0x3  }
0xe: {  	s8 =	sshll.u32 s5, $0x5;
	s5 =	sor.u32 $0x100, s5;
	s4 =	ssub.s32 s4, s24  }
0xf: {  	s24 =	simm.s32 $0x5900;
	s7 =	sadd.s32 s1, s7;
	s25 =	sadd.s32 s0, s8  }
0x10: {  	s26 =	sshrl.u32 s5, $0x3;
	s5 =	sshll.u32 s5, $0x5;
	[dreg:$0x3] =	wrdreg s7  }
0x11: {  	s4 =	smax.u32 s4, $0x1;
	s8 =	simm.s32 $0xA900;
	[dreg:$0x4] =	wrdreg s25  }
0x12: {  	v2 =	vlaneseq.u32;
	s1 =	sadd.s32 s1, s26;
	s0 =	sadd.s32 s0, s5;
	s5 =	simm.s32 $0x2  }
0x13: {  	vm0 =	vmmov $0xffff;
	v1 =	vshrl.u32 v2, $0x3;
	s25 =	simm.s32 $0x6100;
	s26 =	simm.s32 $0x6900;
	[dreg:$0x5] =	wrdreg s1  }
0x14: {  	v0 =	vand.u32 $0x7, v2;
	v2 =	vor.u32 $0x8, v2;
	v1 =	vmul.u32 $0x8, v1;
	s7 =	simm.s32 $0xA100;
	[dreg:$0x6] =	wrdreg s0;
	s1 =	simm.s32 $0x9900  }
.LBB2_1:
0x15: {  	s13 =	rddreg [dreg:$0x3]  }
0x16: {  	[tilespmem:s2], [sflag:$0x2] =	stream.linear.gather [hbm4b:s13+s2], $0x100, $0x38;
	[tilespmem:$0x10100] =	vst v63  }
0x17: {  	_ =	swait.ge [sflag:s5], $0x100  }
0x18: {  	[sflag:s5] =	ssyncset.done $0x0  }
0x19: {  	[sflag:s5] =	ssyncadd.s32 $0xFFFFFF00  }
0x1a: {  	v3 =	vld [tilespmem:$0x0];
	_ =	sdelay $0x4  }
0x1b: {  	v4 =	vshll.u32 v3, $0x1  }
0x1c: {  	v3 =	vand.u32 $0x7, v3;
	v4 =	vand.u32 $0xFFFFFFF0, v4  }
0x1d: {  	v3 =	vor.u32 v3, v4  }
0x1e: {  	v4 =	vperm.xlane v3, v0;
	_ =	sdelay $0x1  }
0x1f: {  	v3 =	vperm.xlane v3, v2;
	v4 =	vadd.s32 v1, v4;
	_ =	sdelay $0x1  }
0x20: {  	v3 =	vadd.s32 v1, v3;
	_ =	sdelay $0x1  }
0x21: {  	s0 =	simm.s32 $0x100  }
0x22: {  	[tilespmem:s0], [sflag:$0x1] =	stream.indirect_vreg.gather [hbm4b:s3+s2], $0x80, v4, vm0, $0xb8;
	[tilespmem:$0x10100] =	vst v63  }
0x23: {  	_ = 	snop  }
0x24: {  	[tilespmem:s14], [sflag:$0x1] =	stream.indirect_vreg.gather [hbm4b:s3+s2], $0x80, v3, vm0, $0xb8;
	[tilespmem:$0x10100] =	vst v63  }
0x25: {  	v3 =	vld [tilespmem:$0x10];
	_ =	sdelay $0x4  }
0x26: {  	v33 =	vshll.u32 v3, $0x1  }
0x27: {  	v3 =	vand.u32 $0x7, v3;
	v4 =	vand.u32 $0xFFFFFFF0, v33  }
0x28: {  	v3 =	vor.u32 v3, v4  }
0x29: {  	v4 =	vperm.xlane v3, v0;
	_ =	sdelay $0x1  }
0x2a: {  	v3 =	vperm.xlane v3, v2;
	v4 =	vadd.s32 v1, v4;
	_ =	sdelay $0x1  }
0x2b: {  	v3 =	vadd.s32 v1, v3;
	_ =	sdelay $0x2  }
0x2c: {  	[tilespmem:s15], [sflag:$0x1] =	stream.indirect_vreg.gather [hbm4b:s3+s2], $0x80, v4, vm0, $0xb8;
	[tilespmem:$0x10100] =	vst v63  }
0x2d: {  	_ = 	snop  }
0x2e: {  	[tilespmem:s16], [sflag:$0x1] =	stream.indirect_vreg.gather [hbm4b:s3+s2], $0x80, v3, vm0, $0xb8;
	[tilespmem:$0x10100] =	vst v63  }
0x2f: {  	v3 =	vld [tilespmem:$0x20];
	_ =	sdelay $0x4  }
0x30: {  	v34 =	vshll.u32 v3, $0x1  }
0x31: {  	v3 =	vand.u32 $0x7, v3;
	v4 =	vand.u32 $0xFFFFFFF0, v34  }
0x32: {  	v3 =	vor.u32 v3, v4  }
0x33: {  	v4 =	vperm.xlane v3, v0;
	_ =	sdelay $0x1  }
0x34: {  	v3 =	vperm.xlane v3, v2;
	v4 =	vadd.s32 v1, v4;
	_ =	sdelay $0x1  }
0x35: {  	v3 =	vadd.s32 v1, v3;
	_ =	sdelay $0x2  }
0x36: {  	[tilespmem:s17], [sflag:$0x1] =	stream.indirect_vreg.gather [hbm4b:s3+s2], $0x80, v4, vm0, $0xb8;
	[tilespmem:$0x10100] =	vst v63  }
0x37: {  	_ = 	snop  }
0x38: {  	[tilespmem:s18], [sflag:$0x1] =	stream.indirect_vreg.gather [hbm4b:s3+s2], $0x80, v3, vm0, $0xb8;
	[tilespmem:$0x10100] =	vst v63  }
0x39: {  	v3 =	vld [tilespmem:$0x30];
	_ =	sdelay $0x4  }
0x3a: {  	v35 =	vshll.u32 v3, $0x1  }
0x3b: {  	v3 =	vand.u32 $0x7, v3;
	v4 =	vand.u32 $0xFFFFFFF0, v35  }
0x3c: {  	v3 =	vor.u32 v3, v4  }
0x3d: {  	v4 =	vperm.xlane v3, v0;
	_ =	sdelay $0x1  }
0x3e: {  	v3 =	vperm.xlane v3, v2;
	v4 =	vadd.s32 v1, v4;
	_ =	sdelay $0x1  }
0x3f: {  	v3 =	vadd.s32 v1, v3;
	_ =	sdelay $0x2  }
0x40: {  	[tilespmem:s19], [sflag:$0x1] =	stream.indirect_vreg.gather [hbm4b:s3+s2], $0x80, v4, vm0, $0xb8;
	[tilespmem:$0x10100] =	vst v63  }
0x41: {  	_ = 	snop  }
0x42: {  	[tilespmem:s20], [sflag:$0x1] =	stream.indirect_vreg.gather [hbm4b:s3+s2], $0x80, v3, vm0, $0xb8;
	[tilespmem:$0x10100] =	vst v63  }
0x43: {  	v3 =	vld [tilespmem:$0x40];
	_ =	sdelay $0x4  }
0x44: {  	v36 =	vshll.u32 v3, $0x1  }
0x45: {  	v3 =	vand.u32 $0x7, v3;
	v4 =	vand.u32 $0xFFFFFFF0, v36  }
0x46: {  	v3 =	vor.u32 v3, v4  }
0x47: {  	v4 =	vperm.xlane v3, v0;
	_ =	sdelay $0x1  }
0x48: {  	v3 =	vperm.xlane v3, v2;
	v4 =	vadd.s32 v1, v4;
	_ =	sdelay $0x1  }
0x49: {  	v3 =	vadd.s32 v1, v3;
	_ =	sdelay $0x2  }
0x4a: {  	[tilespmem:s21], [sflag:$0x1] =	stream.indirect_vreg.gather [hbm4b:s3+s2], $0x80, v4, vm0, $0xb8;
	[tilespmem:$0x10100] =	vst v63  }
0x4b: {  	_ = 	snop  }
0x4c: {  	[tilespmem:s22], [sflag:$0x1] =	stream.indirect_vreg.gather [hbm4b:s3+s2], $0x80, v3, vm0, $0xb8;
	[tilespmem:$0x10100] =	vst v63  }
0x4d: {  	v3 =	vld [tilespmem:$0x50];
	_ =	sdelay $0x4  }
0x4e: {  	v37 =	vshll.u32 v3, $0x1  }
0x4f: {  	v3 =	vand.u32 $0x7, v3;
	v4 =	vand.u32 $0xFFFFFFF0, v37  }
0x50: {  	v3 =	vor.u32 v3, v4  }
0x51: {  	v4 =	vperm.xlane v3, v0;
	_ =	sdelay $0x1  }
0x52: {  	v3 =	vperm.xlane v3, v2;
	v4 =	vadd.s32 v1, v4;
	_ =	sdelay $0x1  }
0x53: {  	v3 =	vadd.s32 v1, v3;
	_ =	sdelay $0x2  }
0x54: {  	[tilespmem:s23], [sflag:$0x1] =	stream.indirect_vreg.gather [hbm4b:s3+s2], $0x80, v4, vm0, $0xb8;
	[tilespmem:$0x10100] =	vst v63  }
0x55: {  	_ = 	snop  }
0x56: {  	[tilespmem:s24], [sflag:$0x1] =	stream.indirect_vreg.gather [hbm4b:s3+s2], $0x80, v3, vm0, $0xb8;
	[tilespmem:$0x10100] =	vst v63  }
0x57: {  	v3 =	vld [tilespmem:$0x60];
	_ =	sdelay $0x4  }
0x58: {  	v38 =	vshll.u32 v3, $0x1  }
0x59: {  	v3 =	vand.u32 $0x7, v3;
	v4 =	vand.u32 $0xFFFFFFF0, v38  }
0x5a: {  	v3 =	vor.u32 v3, v4  }
0x5b: {  	v4 =	vperm.xlane v3, v0;
	_ =	sdelay $0x1  }
0x5c: {  	v3 =	vperm.xlane v3, v2;
	v4 =	vadd.s32 v1, v4;
	_ =	sdelay $0x1  }
0x5d: {  	v3 =	vadd.s32 v1, v3;
	_ =	sdelay $0x2  }
0x5e: {  	[tilespmem:s25], [sflag:$0x1] =	stream.indirect_vreg.gather [hbm4b:s3+s2], $0x80, v4, vm0, $0xb8;
	[tilespmem:$0x10100] =	vst v63  }
0x5f: {  	_ = 	snop  }
0x60: {  	[tilespmem:s26], [sflag:$0x1] =	stream.indirect_vreg.gather [hbm4b:s3+s2], $0x80, v3, vm0, $0xb8;
	[tilespmem:$0x10100] =	vst v63  }
0x61: {  	v3 =	vld [tilespmem:$0x70];
	_ =	sdelay $0x4  }
0x62: {  	v39 =	vshll.u32 v3, $0x1  }
0x63: {  	v3 =	vand.u32 $0x7, v3;
	v4 =	vand.u32 $0xFFFFFFF0, v39  }
0x64: {  	v3 =	vor.u32 v3, v4  }
0x65: {  	v4 =	vperm.xlane v3, v0;
	_ =	sdelay $0x1  }
0x66: {  	v3 =	vperm.xlane v3, v2;
	v4 =	vadd.s32 v1, v4;
	_ =	sdelay $0x1  }
0x67: {  	v3 =	vadd.s32 v1, v3;
	_ =	sdelay $0x2  }
0x68: {  	[tilespmem:s28], [sflag:$0x1] =	stream.indirect_vreg.gather [hbm4b:s3+s2], $0x80, v4, vm0, $0xb8;
	[tilespmem:$0x10100] =	vst v63  }
0x69: {  	_ = 	snop  }
0x6a: {  	[tilespmem:s29], [sflag:$0x1] =	stream.indirect_vreg.gather [hbm4b:s3+s2], $0x80, v3, vm0, $0xb8;
	[tilespmem:$0x10100] =	vst v63  }
0x6b: {  	v3 =	vld [tilespmem:$0x80];
	_ =	sdelay $0x4  }
0x6c: {  	v40 =	vshll.u32 v3, $0x1  }
0x6d: {  	v3 =	vand.u32 $0x7, v3;
	v4 =	vand.u32 $0xFFFFFFF0, v40  }
0x6e: {  	v3 =	vor.u32 v3, v4  }
0x6f: {  	v4 =	vperm.xlane v3, v0;
	_ =	sdelay $0x1  }
0x70: {  	v3 =	vperm.xlane v3, v2;
	v4 =	vadd.s32 v1, v4;
	_ =	sdelay $0x1  }
0x71: {  	v3 =	vadd.s32 v1, v3;
	_ =	sdelay $0x2  }
0x72: {  	[tilespmem:s30], [sflag:$0x1] =	stream.indirect_vreg.gather [hbm4b:s3+s2], $0x80, v4, vm0, $0xb8;
	[tilespmem:$0x10100] =	vst v63  }
0x73: {  	_ = 	snop  }
0x74: {  	[tilespmem:s31], [sflag:$0x1] =	stream.indirect_vreg.gather [hbm4b:s3+s2], $0x80, v3, vm0, $0xb8;
	[tilespmem:$0x10100] =	vst v63  }
0x75: {  	v3 =	vld [tilespmem:$0x90];
	_ =	sdelay $0x4  }
0x76: {  	v41 =	vshll.u32 v3, $0x1  }
0x77: {  	v3 =	vand.u32 $0x7, v3;
	v4 =	vand.u32 $0xFFFFFFF0, v41  }
0x78: {  	v3 =	vor.u32 v3, v4  }
0x79: {  	v4 =	vperm.xlane v3, v0;
	_ =	sdelay $0x1  }
0x7a: {  	v3 =	vperm.xlane v3, v2;
	v4 =	vadd.s32 v1, v4;
	_ =	sdelay $0x1  }
0x7b: {  	v3 =	vadd.s32 v1, v3;
	_ =	sdelay $0x1  }
0x7c: {  	s13 =	simm.s32 $0x9100  }
0x7d: {  	[tilespmem:s13], [sflag:$0x1] =	stream.indirect_vreg.gather [hbm4b:s3+s2], $0x80, v4, vm0, $0xb8;
	[tilespmem:$0x10100] =	vst v63  }
0x7e: {  	_ = 	snop  }
0x7f: {  	[tilespmem:s1], [sflag:$0x1] =	stream.indirect_vreg.gather [hbm4b:s3+s2], $0x80, v3, vm0, $0xb8;
	[tilespmem:$0x10100] =	vst v63  }
0x80: {  	v3 =	vld [tilespmem:$0xA0];
	_ =	sdelay $0x4  }
0x81: {  	v42 =	vshll.u32 v3, $0x1  }
0x82: {  	v3 =	vand.u32 $0x7, v3;
	v4 =	vand.u32 $0xFFFFFFF0, v42  }
0x83: {  	v3 =	vor.u32 v3, v4  }
0x84: {  	v4 =	vperm.xlane v3, v0;
	_ =	sdelay $0x1  }
0x85: {  	v3 =	vperm.xlane v3, v2;
	v4 =	vadd.s32 v1, v4;
	_ =	sdelay $0x1  }
0x86: {  	v3 =	vadd.s32 v1, v3;
	_ =	sdelay $0x2  }
0x87: {  	[tilespmem:s7], [sflag:$0x1] =	stream.indirect_vreg.gather [hbm4b:s3+s2], $0x80, v4, vm0, $0xb8;
	[tilespmem:$0x10100] =	vst v63  }
0x88: {  	_ = 	snop  }
0x89: {  	[tilespmem:s8], [sflag:$0x1] =	stream.indirect_vreg.gather [hbm4b:s3+s2], $0x80, v3, vm0, $0xb8;
	[tilespmem:$0x10100] =	vst v63  }
0x8a: {  	v3 =	vld [tilespmem:$0xB0];
	_ =	sdelay $0x4  }
0x8b: {  	v43 =	vshll.u32 v3, $0x1  }
0x8c: {  	v3 =	vand.u32 $0x7, v3;
	v4 =	vand.u32 $0xFFFFFFF0, v43  }
0x8d: {  	v3 =	vor.u32 v3, v4  }
0x8e: {  	v4 =	vperm.xlane v3, v0;
	_ =	sdelay $0x1  }
0x8f: {  	v3 =	vperm.xlane v3, v2;
	v4 =	vadd.s32 v1, v4;
	_ =	sdelay $0x1  }
0x90: {  	v3 =	vadd.s32 v1, v3;
	_ =	sdelay $0x2  }
0x91: {  	[tilespmem:s9], [sflag:$0x1] =	stream.indirect_vreg.gather [hbm4b:s3+s2], $0x80, v4, vm0, $0xb8;
	[tilespmem:$0x10100] =	vst v63  }
0x92: {  	_ = 	snop  }
0x93: {  	[tilespmem:s10], [sflag:$0x1] =	stream.indirect_vreg.gather [hbm4b:s3+s2], $0x80, v3, vm0, $0xb8;
	[tilespmem:$0x10100] =	vst v63  }
0x94: {  	v3 =	vld [tilespmem:$0xC0];
	_ =	sdelay $0x4  }
0x95: {  	v44 =	vshll.u32 v3, $0x1  }
0x96: {  	v3 =	vand.u32 $0x7, v3;
	v4 =	vand.u32 $0xFFFFFFF0, v44  }
0x97: {  	v3 =	vor.u32 v3, v4  }
0x98: {  	v4 =	vperm.xlane v3, v0;
	_ =	sdelay $0x1  }
0x99: {  	v3 =	vperm.xlane v3, v2;
	v4 =	vadd.s32 v1, v4;
	_ =	sdelay $0x1  }
0x9a: {  	v3 =	vadd.s32 v1, v3;
	_ =	sdelay $0x2  }
0x9b: {  	[tilespmem:s11], [sflag:$0x1] =	stream.indirect_vreg.gather [hbm4b:s3+s2], $0x80, v4, vm0, $0xb8;
	[tilespmem:$0x10100] =	vst v63  }
0x9c: {  	_ = 	snop  }
0x9d: {  	[tilespmem:s6], [sflag:$0x1] =	stream.indirect_vreg.gather [hbm4b:s3+s2], $0x80, v3, vm0, $0xb8;
	[tilespmem:$0x10100] =	vst v63  }
0x9e: {  	v3 =	vld [tilespmem:$0xD0];
	_ =	sdelay $0x4  }
0x9f: {  	v45 =	vshll.u32 v3, $0x1  }
0xa0: {  	v3 =	vand.u32 $0x7, v3;
	v4 =	vand.u32 $0xFFFFFFF0, v45  }
0xa1: {  	v3 =	vor.u32 v3, v4  }
0xa2: {  	v4 =	vperm.xlane v3, v0;
	_ =	sdelay $0x1  }
0xa3: {  	v3 =	vperm.xlane v3, v2;
	v4 =	vadd.s32 v1, v4;
	_ =	sdelay $0x1  }
0xa4: {  	v3 =	vadd.s32 v1, v3;
	_ =	sdelay $0x1  }
0xa5: {  	s13 =	simm.s32 $0xD100  }
0xa6: {  	[tilespmem:s13], [sflag:$0x1] =	stream.indirect_vreg.gather [hbm4b:s3+s2], $0x80, v4, vm0, $0xb8;
	[tilespmem:$0x10100] =	vst v63  }
0xa7: {  	s13 =	simm.s32 $0xD900  }
0xa8: {  	[tilespmem:s13], [sflag:$0x1] =	stream.indirect_vreg.gather [hbm4b:s3+s2], $0x80, v3, vm0, $0xb8;
	[tilespmem:$0x10100] =	vst v63  }
0xa9: {  	v3 =	vld [tilespmem:$0xE0];
	_ =	sdelay $0x4  }
0xaa: {  	v46 =	vshll.u32 v3, $0x1  }
0xab: {  	v3 =	vand.u32 $0x7, v3;
	v4 =	vand.u32 $0xFFFFFFF0, v46  }
0xac: {  	v3 =	vor.u32 v3, v4  }
0xad: {  	v4 =	vperm.xlane v3, v0;
	_ =	sdelay $0x1  }
0xae: {  	v3 =	vperm.xlane v3, v2;
	v4 =	vadd.s32 v1, v4;
	_ =	sdelay $0x1  }
0xaf: {  	v3 =	vadd.s32 v1, v3;
	_ =	sdelay $0x1  }
0xb0: {  	s13 =	simm.s32 $0xE100  }
0xb1: {  	[tilespmem:s13], [sflag:$0x1] =	stream.indirect_vreg.gather [hbm4b:s3+s2], $0x80, v4, vm0, $0xb8;
	[tilespmem:$0x10100] =	vst v63  }
0xb2: {  	s13 =	simm.s32 $0xE900  }
0xb3: {  	[tilespmem:s13], [sflag:$0x1] =	stream.indirect_vreg.gather [hbm4b:s3+s2], $0x80, v3, vm0, $0xb8;
	[tilespmem:$0x10100] =	vst v63  }
0xb4: {  	v3 =	vld [tilespmem:$0xF0];
	_ =	sdelay $0x4  }
0xb5: {  	v47 =	vshll.u32 v3, $0x1  }
0xb6: {  	v3 =	vand.u32 $0x7, v3;
	v4 =	vand.u32 $0xFFFFFFF0, v47  }
0xb7: {  	v3 =	vor.u32 v3, v4  }
0xb8: {  	v4 =	vperm.xlane v3, v0;
	_ =	sdelay $0x1  }
0xb9: {  	v3 =	vperm.xlane v3, v2;
	v4 =	vadd.s32 v1, v4;
	_ =	sdelay $0x1  }
0xba: {  	v3 =	vadd.s32 v1, v3;
	_ =	sdelay $0x1  }
0xbb: {  	s13 =	simm.s32 $0xF100  }
0xbc: {  	[tilespmem:s13], [sflag:$0x1] =	stream.indirect_vreg.gather [hbm4b:s3+s2], $0x80, v4, vm0, $0xb8;
	[tilespmem:$0x10100] =	vst v63  }
0xbd: {  	s13 =	simm.s32 $0xF900  }
0xbe: {  	[tilespmem:s13], [sflag:$0x1] =	stream.indirect_vreg.gather [hbm4b:s3+s2], $0x80, v3, vm0, $0xb8;
	[tilespmem:$0x10100] =	vst v63  }
0xbf: {  	_ =	swait.ge [sflag:s12], $0x10000  }
0xc0: {  	[sflag:s12] =	ssyncset.done $0x0  }
0xc1: {  	s0 =	simm.s32 $0x100;
	s13 =	rddreg [dreg:$0x4];
	[sflag:s12] =	ssyncadd.s32 $0xFFFF0000  }
0xc2: {  	[hbm4b:s13+s2] =	stream.linear.scatter [tilespmem:s0], [sflag:$0x2], $0x10000, $0x38;
	[tilespmem:$0x10100] =	vst v63  }
0xc3: {  	_ =	swait.ge [sflag:s5], $0x10000  }
0xc4: {  	[sflag:s5] =	ssyncset.done $0x0  }
0xc5: {  	s13 =	rddreg [dreg:$0x5];
	[sflag:s5] =	ssyncadd.s32 $0xFFFF0000  }
0xc6: {  	[tilespmem:s2], [sflag:$0x2] =	stream.linear.gather [hbm4b:s13+s2], $0x100, $0x38;
	[tilespmem:$0x10100] =	vst v63  }
0xc7: {  	_ =	swait.ge [sflag:s5], $0x100  }
0xc8: {  	[sflag:s5] =	ssyncset.done $0x0  }
0xc9: {  	[sflag:s5] =	ssyncadd.s32 $0xFFFFFF00  }
0xca: {  	v3 =	vld [tilespmem:$0x0];
	_ =	sdelay $0x4  }
0xcb: {  	v48 =	vshll.u32 v3, $0x1  }
0xcc: {  	v3 =	vand.u32 $0x7, v3;
	v4 =	vand.u32 $0xFFFFFFF0, v48  }
0xcd: {  	v3 =	vor.u32 v3, v4  }
0xce: {  	v4 =	vperm.xlane v3, v0;
	_ =	sdelay $0x1  }
0xcf: {  	v3 =	vperm.xlane v3, v2;
	v4 =	vadd.s32 v1, v4;
	_ =	sdelay $0x1  }
0xd0: {  	v3 =	vadd.s32 v1, v3;
	_ =	sdelay $0x2  }
0xd1: {  	[tilespmem:s0], [sflag:$0x1] =	stream.indirect_vreg.gather [hbm4b:s3+s2], $0x80, v4, vm0, $0xb8;
	[tilespmem:$0x10100] =	vst v63  }
0xd2: {  	_ = 	snop  }
0xd3: {  	[tilespmem:s14], [sflag:$0x1] =	stream.indirect_vreg.gather [hbm4b:s3+s2], $0x80, v3, vm0, $0xb8;
	[tilespmem:$0x10100] =	vst v63  }
0xd4: {  	v3 =	vld [tilespmem:$0x10];
	_ =	sdelay $0x4  }
0xd5: {  	v49 =	vshll.u32 v3, $0x1  }
0xd6: {  	v3 =	vand.u32 $0x7, v3;
	v4 =	vand.u32 $0xFFFFFFF0, v49  }
0xd7: {  	v3 =	vor.u32 v3, v4  }
0xd8: {  	v4 =	vperm.xlane v3, v0;
	_ =	sdelay $0x1  }
0xd9: {  	v3 =	vperm.xlane v3, v2;
	v4 =	vadd.s32 v1, v4;
	_ =	sdelay $0x1  }
0xda: {  	v3 =	vadd.s32 v1, v3;
	_ =	sdelay $0x2  }
0xdb: {  	[tilespmem:s15], [sflag:$0x1] =	stream.indirect_vreg.gather [hbm4b:s3+s2], $0x80, v4, vm0, $0xb8;
	[tilespmem:$0x10100] =	vst v63  }
0xdc: {  	_ = 	snop  }
0xdd: {  	[tilespmem:s16], [sflag:$0x1] =	stream.indirect_vreg.gather [hbm4b:s3+s2], $0x80, v3, vm0, $0xb8;
	[tilespmem:$0x10100] =	vst v63  }
0xde: {  	v3 =	vld [tilespmem:$0x20];
	_ =	sdelay $0x4  }
0xdf: {  	v50 =	vshll.u32 v3, $0x1  }
0xe0: {  	v3 =	vand.u32 $0x7, v3;
	v4 =	vand.u32 $0xFFFFFFF0, v50  }
0xe1: {  	v3 =	vor.u32 v3, v4  }
0xe2: {  	v4 =	vperm.xlane v3, v0;
	_ =	sdelay $0x1  }
0xe3: {  	v3 =	vperm.xlane v3, v2;
	v4 =	vadd.s32 v1, v4;
	_ =	sdelay $0x1  }
0xe4: {  	v3 =	vadd.s32 v1, v3;
	_ =	sdelay $0x2  }
0xe5: {  	[tilespmem:s17], [sflag:$0x1] =	stream.indirect_vreg.gather [hbm4b:s3+s2], $0x80, v4, vm0, $0xb8;
	[tilespmem:$0x10100] =	vst v63  }
0xe6: {  	_ = 	snop  }
0xe7: {  	[tilespmem:s18], [sflag:$0x1] =	stream.indirect_vreg.gather [hbm4b:s3+s2], $0x80, v3, vm0, $0xb8;
	[tilespmem:$0x10100] =	vst v63  }
0xe8: {  	v3 =	vld [tilespmem:$0x30];
	_ =	sdelay $0x4  }
0xe9: {  	v51 =	vshll.u32 v3, $0x1  }
0xea: {  	v3 =	vand.u32 $0x7, v3;
	v4 =	vand.u32 $0xFFFFFFF0, v51  }
0xeb: {  	v3 =	vor.u32 v3, v4  }
0xec: {  	v4 =	vperm.xlane v3, v0;
	_ =	sdelay $0x1  }
0xed: {  	v3 =	vperm.xlane v3, v2;
	v4 =	vadd.s32 v1, v4;
	_ =	sdelay $0x1  }
0xee: {  	v3 =	vadd.s32 v1, v3;
	_ =	sdelay $0x2  }
0xef: {  	[tilespmem:s19], [sflag:$0x1] =	stream.indirect_vreg.gather [hbm4b:s3+s2], $0x80, v4, vm0, $0xb8;
	[tilespmem:$0x10100] =	vst v63  }
0xf0: {  	_ = 	snop  }
0xf1: {  	[tilespmem:s20], [sflag:$0x1] =	stream.indirect_vreg.gather [hbm4b:s3+s2], $0x80, v3, vm0, $0xb8;
	[tilespmem:$0x10100] =	vst v63  }
0xf2: {  	v3 =	vld [tilespmem:$0x40];
	_ =	sdelay $0x4  }
0xf3: {  	v52 =	vshll.u32 v3, $0x1  }
0xf4: {  	v3 =	vand.u32 $0x7, v3;
	v4 =	vand.u32 $0xFFFFFFF0, v52  }
0xf5: {  	v3 =	vor.u32 v3, v4  }
0xf6: {  	v4 =	vperm.xlane v3, v0;
	_ =	sdelay $0x1  }
0xf7: {  	v3 =	vperm.xlane v3, v2;
	v4 =	vadd.s32 v1, v4;
	_ =	sdelay $0x1  }
0xf8: {  	v3 =	vadd.s32 v1, v3;
	_ =	sdelay $0x2  }
0xf9: {  	[tilespmem:s21], [sflag:$0x1] =	stream.indirect_vreg.gather [hbm4b:s3+s2], $0x80, v4, vm0, $0xb8;
	[tilespmem:$0x10100] =	vst v63  }
0xfa: {  	_ = 	snop  }
0xfb: {  	[tilespmem:s22], [sflag:$0x1] =	stream.indirect_vreg.gather [hbm4b:s3+s2], $0x80, v3, vm0, $0xb8;
	[tilespmem:$0x10100] =	vst v63  }
0xfc: {  	v3 =	vld [tilespmem:$0x50];
	_ =	sdelay $0x4  }
0xfd: {  	v53 =	vshll.u32 v3, $0x1  }
0xfe: {  	v3 =	vand.u32 $0x7, v3;
	v4 =	vand.u32 $0xFFFFFFF0, v53  }
0xff: {  	v3 =	vor.u32 v3, v4  }
0x100: {  	v4 =	vperm.xlane v3, v0;
	_ =	sdelay $0x1  }
0x101: {  	v3 =	vperm.xlane v3, v2;
	v4 =	vadd.s32 v1, v4;
	_ =	sdelay $0x1  }
0x102: {  	v3 =	vadd.s32 v1, v3;
	_ =	sdelay $0x2  }
0x103: {  	[tilespmem:s23], [sflag:$0x1] =	stream.indirect_vreg.gather [hbm4b:s3+s2], $0x80, v4, vm0, $0xb8;
	[tilespmem:$0x10100] =	vst v63  }
0x104: {  	_ = 	snop  }
0x105: {  	[tilespmem:s24], [sflag:$0x1] =	stream.indirect_vreg.gather [hbm4b:s3+s2], $0x80, v3, vm0, $0xb8;
	[tilespmem:$0x10100] =	vst v63  }
0x106: {  	v3 =	vld [tilespmem:$0x60];
	_ =	sdelay $0x4  }
0x107: {  	v54 =	vshll.u32 v3, $0x1  }
0x108: {  	v3 =	vand.u32 $0x7, v3;
	v4 =	vand.u32 $0xFFFFFFF0, v54  }
0x109: {  	v3 =	vor.u32 v3, v4  }
0x10a: {  	v4 =	vperm.xlane v3, v0;
	_ =	sdelay $0x1  }
0x10b: {  	v3 =	vperm.xlane v3, v2;
	v4 =	vadd.s32 v1, v4;
	_ =	sdelay $0x1  }
0x10c: {  	v3 =	vadd.s32 v1, v3;
	_ =	sdelay $0x2  }
0x10d: {  	[tilespmem:s25], [sflag:$0x1] =	stream.indirect_vreg.gather [hbm4b:s3+s2], $0x80, v4, vm0, $0xb8;
	[tilespmem:$0x10100] =	vst v63  }
0x10e: {  	_ = 	snop  }
0x10f: {  	[tilespmem:s26], [sflag:$0x1] =	stream.indirect_vreg.gather [hbm4b:s3+s2], $0x80, v3, vm0, $0xb8;
	[tilespmem:$0x10100] =	vst v63  }
0x110: {  	v3 =	vld [tilespmem:$0x70];
	_ =	sdelay $0x4  }
0x111: {  	v55 =	vshll.u32 v3, $0x1  }
0x112: {  	v3 =	vand.u32 $0x7, v3;
	v4 =	vand.u32 $0xFFFFFFF0, v55  }
0x113: {  	v3 =	vor.u32 v3, v4  }
0x114: {  	v4 =	vperm.xlane v3, v0;
	_ =	sdelay $0x1  }
0x115: {  	v3 =	vperm.xlane v3, v2;
	v4 =	vadd.s32 v1, v4;
	_ =	sdelay $0x1  }
0x116: {  	v3 =	vadd.s32 v1, v3;
	_ =	sdelay $0x2  }
0x117: {  	[tilespmem:s28], [sflag:$0x1] =	stream.indirect_vreg.gather [hbm4b:s3+s2], $0x80, v4, vm0, $0xb8;
	[tilespmem:$0x10100] =	vst v63  }
0x118: {  	_ = 	snop  }
0x119: {  	[tilespmem:s29], [sflag:$0x1] =	stream.indirect_vreg.gather [hbm4b:s3+s2], $0x80, v3, vm0, $0xb8;
	[tilespmem:$0x10100] =	vst v63  }
0x11a: {  	v3 =	vld [tilespmem:$0x80];
	_ =	sdelay $0x4  }
0x11b: {  	v56 =	vshll.u32 v3, $0x1  }
0x11c: {  	v3 =	vand.u32 $0x7, v3;
	v4 =	vand.u32 $0xFFFFFFF0, v56  }
0x11d: {  	v3 =	vor.u32 v3, v4  }
0x11e: {  	v4 =	vperm.xlane v3, v0;
	_ =	sdelay $0x1  }
0x11f: {  	v3 =	vperm.xlane v3, v2;
	v4 =	vadd.s32 v1, v4;
	_ =	sdelay $0x1  }
0x120: {  	v3 =	vadd.s32 v1, v3;
	_ =	sdelay $0x2  }
0x121: {  	[tilespmem:s30], [sflag:$0x1] =	stream.indirect_vreg.gather [hbm4b:s3+s2], $0x80, v4, vm0, $0xb8;
	[tilespmem:$0x10100] =	vst v63  }
0x122: {  	_ = 	snop  }
0x123: {  	[tilespmem:s31], [sflag:$0x1] =	stream.indirect_vreg.gather [hbm4b:s3+s2], $0x80, v3, vm0, $0xb8;
	[tilespmem:$0x10100] =	vst v63  }
0x124: {  	v3 =	vld [tilespmem:$0x90];
	_ =	sdelay $0x4  }
0x125: {  	v57 =	vshll.u32 v3, $0x1  }
0x126: {  	v3 =	vand.u32 $0x7, v3;
	v4 =	vand.u32 $0xFFFFFFF0, v57  }
0x127: {  	v3 =	vor.u32 v3, v4  }
0x128: {  	v4 =	vperm.xlane v3, v0;
	_ =	sdelay $0x1  }
0x129: {  	v3 =	vperm.xlane v3, v2;
	v4 =	vadd.s32 v1, v4;
	_ =	sdelay $0x1  }
0x12a: {  	v3 =	vadd.s32 v1, v3;
	_ =	sdelay $0x1  }
0x12b: {  	s13 =	simm.s32 $0x9100  }
0x12c: {  	[tilespmem:s13], [sflag:$0x1] =	stream.indirect_vreg.gather [hbm4b:s3+s2], $0x80, v4, vm0, $0xb8;
	[tilespmem:$0x10100] =	vst v63  }
0x12d: {  	_ = 	snop  }
0x12e: {  	[tilespmem:s1], [sflag:$0x1] =	stream.indirect_vreg.gather [hbm4b:s3+s2], $0x80, v3, vm0, $0xb8;
	[tilespmem:$0x10100] =	vst v63  }
0x12f: {  	v3 =	vld [tilespmem:$0xA0];
	_ =	sdelay $0x4  }
0x130: {  	v58 =	vshll.u32 v3, $0x1  }
0x131: {  	v3 =	vand.u32 $0x7, v3;
	v4 =	vand.u32 $0xFFFFFFF0, v58  }
0x132: {  	v3 =	vor.u32 v3, v4  }
0x133: {  	v4 =	vperm.xlane v3, v0;
	_ =	sdelay $0x1  }
0x134: {  	v3 =	vperm.xlane v3, v2;
	v4 =	vadd.s32 v1, v4;
	_ =	sdelay $0x1  }
0x135: {  	v3 =	vadd.s32 v1, v3;
	_ =	sdelay $0x2  }
0x136: {  	[tilespmem:s7], [sflag:$0x1] =	stream.indirect_vreg.gather [hbm4b:s3+s2], $0x80, v4, vm0, $0xb8;
	[tilespmem:$0x10100] =	vst v63  }
0x137: {  	_ = 	snop  }
0x138: {  	[tilespmem:s8], [sflag:$0x1] =	stream.indirect_vreg.gather [hbm4b:s3+s2], $0x80, v3, vm0, $0xb8;
	[tilespmem:$0x10100] =	vst v63  }
0x139: {  	v3 =	vld [tilespmem:$0xB0];
	_ =	sdelay $0x4  }
0x13a: {  	v59 =	vshll.u32 v3, $0x1  }
0x13b: {  	v3 =	vand.u32 $0x7, v3;
	v4 =	vand.u32 $0xFFFFFFF0, v59  }
0x13c: {  	v3 =	vor.u32 v3, v4  }
0x13d: {  	v4 =	vperm.xlane v3, v0;
	_ =	sdelay $0x1  }
0x13e: {  	v3 =	vperm.xlane v3, v2;
	v4 =	vadd.s32 v1, v4;
	_ =	sdelay $0x1  }
0x13f: {  	v3 =	vadd.s32 v1, v3;
	_ =	sdelay $0x2  }
0x140: {  	[tilespmem:s9], [sflag:$0x1] =	stream.indirect_vreg.gather [hbm4b:s3+s2], $0x80, v4, vm0, $0xb8;
	[tilespmem:$0x10100] =	vst v63  }
0x141: {  	_ = 	snop  }
0x142: {  	[tilespmem:s10], [sflag:$0x1] =	stream.indirect_vreg.gather [hbm4b:s3+s2], $0x80, v3, vm0, $0xb8;
	[tilespmem:$0x10100] =	vst v63  }
0x143: {  	v3 =	vld [tilespmem:$0xC0];
	_ =	sdelay $0x4  }
0x144: {  	v60 =	vshll.u32 v3, $0x1  }
0x145: {  	v3 =	vand.u32 $0x7, v3;
	v4 =	vand.u32 $0xFFFFFFF0, v60  }
0x146: {  	v3 =	vor.u32 v3, v4  }
0x147: {  	v4 =	vperm.xlane v3, v0;
	_ =	sdelay $0x1  }
0x148: {  	v3 =	vperm.xlane v3, v2;
	v4 =	vadd.s32 v1, v4;
	_ =	sdelay $0x1  }
0x149: {  	v3 =	vadd.s32 v1, v3;
	_ =	sdelay $0x2  }
0x14a: {  	[tilespmem:s11], [sflag:$0x1] =	stream.indirect_vreg.gather [hbm4b:s3+s2], $0x80, v4, vm0, $0xb8;
	[tilespmem:$0x10100] =	vst v63  }
0x14b: {  	_ = 	snop  }
0x14c: {  	[tilespmem:s6], [sflag:$0x1] =	stream.indirect_vreg.gather [hbm4b:s3+s2], $0x80, v3, vm0, $0xb8;
	[tilespmem:$0x10100] =	vst v63  }
0x14d: {  	v3 =	vld [tilespmem:$0xD0];
	_ =	sdelay $0x4  }
0x14e: {  	v61 =	vshll.u32 v3, $0x1  }
0x14f: {  	v3 =	vand.u32 $0x7, v3;
	v4 =	vand.u32 $0xFFFFFFF0, v61  }
0x150: {  	v3 =	vor.u32 v3, v4  }
0x151: {  	v4 =	vperm.xlane v3, v0;
	_ =	sdelay $0x1  }
0x152: {  	v3 =	vperm.xlane v3, v2;
	v4 =	vadd.s32 v1, v4;
	_ =	sdelay $0x1  }
0x153: {  	v3 =	vadd.s32 v1, v3;
	_ =	sdelay $0x1  }
0x154: {  	s13 =	simm.s32 $0xD100  }
0x155: {  	[tilespmem:s13], [sflag:$0x1] =	stream.indirect_vreg.gather [hbm4b:s3+s2], $0x80, v4, vm0, $0xb8;
	[tilespmem:$0x10100] =	vst v63  }
0x156: {  	s13 =	simm.s32 $0xD900  }
0x157: {  	[tilespmem:s13], [sflag:$0x1] =	stream.indirect_vreg.gather [hbm4b:s3+s2], $0x80, v3, vm0, $0xb8;
	[tilespmem:$0x10100] =	vst v63  }
0x158: {  	v3 =	vld [tilespmem:$0xE0];
	_ =	sdelay $0x4  }
0x159: {  	v62 =	vshll.u32 v3, $0x1  }
0x15a: {  	v3 =	vand.u32 $0x7, v3;
	v4 =	vand.u32 $0xFFFFFFF0, v62  }
0x15b: {  	v3 =	vor.u32 v3, v4  }
0x15c: {  	v4 =	vperm.xlane v3, v0;
	_ =	sdelay $0x1  }
0x15d: {  	v3 =	vperm.xlane v3, v2;
	v4 =	vadd.s32 v1, v4;
	_ =	sdelay $0x1  }
0x15e: {  	v3 =	vadd.s32 v1, v3;
	_ =	sdelay $0x1  }
0x15f: {  	s13 =	simm.s32 $0xE100  }
0x160: {  	[tilespmem:s13], [sflag:$0x1] =	stream.indirect_vreg.gather [hbm4b:s3+s2], $0x80, v4, vm0, $0xb8;
	[tilespmem:$0x10100] =	vst v63  }
0x161: {  	s13 =	simm.s32 $0xE900  }
0x162: {  	[tilespmem:s13], [sflag:$0x1] =	stream.indirect_vreg.gather [hbm4b:s3+s2], $0x80, v3, vm0, $0xb8;
	[tilespmem:$0x10100] =	vst v63  }
0x163: {  	v3 =	vld [tilespmem:$0xF0];
	_ =	sdelay $0x4  }
0x164: {  	v63 =	vshll.u32 v3, $0x1  }
0x165: {  	v3 =	vand.u32 $0x7, v3;
	v4 =	vand.u32 $0xFFFFFFF0, v63  }
0x166: {  	v3 =	vor.u32 v3, v4  }
0x167: {  	v4 =	vperm.xlane v3, v0;
	_ =	sdelay $0x1  }
0x168: {  	v3 =	vperm.xlane v3, v2;
	v4 =	vadd.s32 v1, v4;
	_ =	sdelay $0x1  }
0x169: {  	v3 =	vadd.s32 v1, v3;
	_ =	sdelay $0x1  }
0x16a: {  	s13 =	simm.s32 $0xF100  }
0x16b: {  	[tilespmem:s13], [sflag:$0x1] =	stream.indirect_vreg.gather [hbm4b:s3+s2], $0x80, v4, vm0, $0xb8;
	[tilespmem:$0x10100] =	vst v63  }
0x16c: {  	s13 =	simm.s32 $0xF900  }
0x16d: {  	[tilespmem:s13], [sflag:$0x1] =	stream.indirect_vreg.gather [hbm4b:s3+s2], $0x80, v3, vm0, $0xb8;
	[tilespmem:$0x10100] =	vst v63  }
0x16e: {  	_ =	swait.ge [sflag:s12], $0x10000  }
0x16f: {  	p0 =	sne.s32 s4, $0x1;
	s0 =	simm.s32 $0x100;
	[sflag:s12] =	ssyncset.done $0x0  }
.Ltmp0:
0x170: {  	s13 =	rddreg [dreg:$0x6];
	[sflag:s12] =	ssyncadd.s32 $0xFFFF0000;
	(pc) =	sbr.rel @p0 .LBB2_1-.Ltmp0, $4  }
0x171: {  	[hbm4b:s13+s2] =	stream.linear.scatter [tilespmem:s0], [sflag:$0x2], $0x10000, $0x38;
	[tilespmem:$0x10100] =	vst v63  }
0x172: {  	_ =	swait.ge [sflag:s5], $0x10000  }
0x173: {  	[sflag:s5] =	ssyncset.done $0x0  }
0x174: {  	s4 =	sadd.s32 $0xFFFFFFFF, s4;
	[sflag:s5] =	ssyncadd.s32 $0xFFFF0000  }
0x175: {  	_ =	sfence.sel $0x180000  }
0x176: {  	[bflag:$0x0] =	sbarrier.arrive $0xFFFF  }
0x177: {  	_ =	strace $0x90000047  }
0x178: {  	s0 =	stileid.u32;
	[bflag:$0x2] =	sbarrier.arrive $0xFFFF  }
0x179: {  	p0 =	sne.s32 s0, $0x0;
	s0 =	rddreg [dreg:$0x2]  }
0x17a: {  	s0 =	sadd.s32 @!p0 $0x100000, s0  }
0x17b: {  	[sflag:s0] =	ssyncadd.tile.s32 @!p0 $0x1;
	_ =	shalt  }
.Lfunc_end2:
_tile_overlayer_lowered:
.L_overlay_start_2:
0x17c: {  	(tag) =	ssettag $0x2  }
0x17d: {  	s0 =	rddreg [dreg:$0x0];
	s2 =	stileid.u32  }
0x17e: {  	s1 =	rddreg [dreg:$0x1];
	p0 =	sne.s32 s2, $0x0  }
0x17f: {  	s3 =	rddreg [dreg:$0x2];
	[bflag:$0x3] =	sbarrier.arrive $0xFFFF;
	s2 =	simm.s32 @!p0 $0x1C02  }
0x180: {  	[timem:s3], [sflag:s2] =	dma.local @!p0 [hbm:s0], s1  }
0x181: {  	s0 =	simm.s32 @!p0 $0x2  }
0x182: {  	_ =	swait.ge @!p0 [sflag:s0], s1  }
0x183: {  	s1 =	ssub.s32 @!p0 $0x0, s1;
	[sflag:s0] =	ssyncset.done @!p0 $0x0  }
0x184: {  	[sflag:s0] =	ssyncadd.s32 @!p0 s1  }
0x185: {  	[bflag:$0x3] =	sbarrier.arrive $0xFFFF  }
0x186: {  	_ =	shalt  }

</sc_bundles>
